<compile_context>
chip_gen: v7x
topology: tpu7x:2x2x1
jax: 0.10.2.dev20260603
libtpu: 0.0.44.dev20260713+nightly
codegen_flags: <defaults>
</compile_context>

<pallas_src>
import jax
import jax.numpy as jnp
from jax import lax
from jax.experimental import pallas as pl
from jax.experimental.pallas import tpu as pltpu
from jax.experimental.pallas import tpu_sc as plsc

NC = 2
NS = 16
NW = NC * NS

BATCH, HIST, D = 4096, 200, 64
B_PER_W = BATCH // NW


def _gather_kernel(table_hbm, idx_hbm, out_hbm, idx_v, rows_v, gsem, osem):
    wid = lax.axis_index("s") * NC + lax.axis_index("c")
    b0 = wid * B_PER_W
    pltpu.sync_copy(
        idx_hbm.at[pl.ds(b0 * HIST, B_PER_W * HIST)],
        idx_v.at[pl.ds(0, B_PER_W * HIST)],
    )

    def issue_rows(b, buf):
        base = b * HIST

        @pl.loop(0, HIST // 8)
        def chunk(c):
            v = idx_v[pl.ds(base + c * 8, 16)]
            for l in range(8):
                pltpu.async_copy(
                    table_hbm.at[0, pl.ds(v[l], 1)],
                    rows_v.at[buf, pl.ds(c * 8 + l, 1)],
                    gsem.at[buf],
                )

    def drain_rows(buf):
        pltpu.make_async_copy(
            table_hbm.at[0, pl.ds(0, HIST)], rows_v.at[buf], gsem.at[buf]
        ).wait()

    def start_out(b, buf):
        pltpu.async_copy(rows_v.at[buf], out_hbm.at[b0 + b], osem.at[buf])

    def wait_out(b, buf):
        pltpu.make_async_copy(
            rows_v.at[buf], out_hbm.at[b0 + b], osem.at[buf]
        ).wait()

    issue_rows(0, 0)
    issue_rows(1, 1)

    @pl.loop(0, B_PER_W - 2, step=2)
    def step(b):
        drain_rows(0)
        start_out(b, 0)
        drain_rows(1)
        start_out(b + 1, 1)
        wait_out(b, 0)
        issue_rows(b + 2, 0)
        wait_out(b + 1, 1)
        issue_rows(b + 3, 1)

    b = B_PER_W - 2
    drain_rows(0)
    start_out(b, 0)
    drain_rows(1)
    start_out(b + 1, 1)
    wait_out(b, 0)
    wait_out(b + 1, 1)


def kernel(words, table):
    idx = words.reshape(BATCH * HIST).astype(jnp.int32)
    mesh = plsc.VectorSubcoreMesh(core_axis_name="c", subcore_axis_name="s")
    f = pl.kernel(
        _gather_kernel,
        out_type=jax.ShapeDtypeStruct((BATCH, HIST, D), jnp.float32),
        mesh=mesh,
        scratch_types=[
            pltpu.VMEM((B_PER_W * HIST + 16,), jnp.int32),
            pltpu.VMEM((2, HIST, D), jnp.float32),
            pltpu.SemaphoreType.DMA((2,)),
            pltpu.SemaphoreType.DMA((2,)),
        ],
        compiler_params=pltpu.CompilerParams(use_tc_tiling_on_sc=True),
    )
    tb = table.reshape(1, 1000000, D)
    out = f(tb, idx)
    return lax.optimization_barrier(out)

# --- scband reference (transcript-rebuilt; emitter-appended) ---
"""Pipeline reference for scband-embedder-68478958567855 (READ-ONLY COPY).

The authoritative reference and input builder live on the scoring server;
editing this copy changes nothing except your own understanding.
"""

import jax, jax.numpy as jnp
import numpy as np

VOCAB = 1000000
EMBED_DIM = 64
BATCH = 4096
HIST_LEN = 200

def setup_inputs(seed: int = 0) -> dict:
    key = jax.random.key(seed)
    k_idx, k_tab = jax.random.split(key)
    words = jax.random.randint(k_idx, (BATCH, HIST_LEN), 0, VOCAB, dtype=jnp.int64 if jax.config.jax_enable_x64 else jnp.int32)
    table = jax.random.normal(k_tab, (VOCAB, EMBED_DIM), dtype=jnp.float32) * 0.02
    return {"words": words, "table": table}

def reference(words, table):
    # Embedder.forward with embedding_type in ['noemb','glove']:
    # word_embeddings = self.embedding(words)
    word_embeddings = jnp.take(table, words, axis=0)
    return word_embeddings

if __name__ == "__main__":
    import jax
    _d = setup_inputs()
    print(jax.jit(kernel)(*tuple(_d.values())))

</pallas_src>

<mosaic_0001>
#map = affine_map<(d0, d1) -> (0, 0, 0)>
#map1 = affine_map<(d0, d1) -> (0)>
module attributes {stable_mosaic.version = 14 : i64} {
  func.func @_gather_kernel(%arg0: i32, %arg1: i32, %arg2: memref<1x1000000x64xf32, #tpu.memory_space<hbm>>, %arg3: memref<819200xi32, #tpu.memory_space<hbm>>, %arg4: memref<4096x200x64xf32, #tpu.memory_space<hbm>>, %arg5: memref<25616xi32, #tpu.memory_space<vmem>>, %arg6: memref<2x200x64xf32, #tpu.memory_space<vmem>>, %arg7: memref<2x!tpu.dma_semaphore, #tpu.memory_space<semaphore_mem>>, %arg8: memref<2x!tpu.dma_semaphore, #tpu.memory_space<semaphore_mem>>) attributes {dimension_semantics = [#tpu.dimension_semantics<core_parallel>, #tpu.dimension_semantics<subcore_parallel>], iteration_bounds = array<i64: 2, 16>, scalar_prefetch = 0 : i64, scratch_operands = 4 : i64, tpu.core_type = #tpu.core_type<sc_vector_subcore>, window_params = [{transform_indices = #map}, {transform_indices = #map1}, {transform_indices = #map}]} {
    %mul3A = arith.constant 2 : i32
    %mul3A_0 = arith.muli %arg1, %mul3A : i32
    %add3A = arith.addi %mul3A_0, %arg0 : i32
    %mul3A_1 = arith.constant 128 : i32
    %mul3A_2 = arith.muli %add3A, %mul3A_1 : i32
    %mul3A_3 = arith.constant 200 : i32
    %mul3A_4 = arith.muli %mul3A_2, %mul3A_3 : i32
    "tpu.region"() ({
      %run_scoped3A = tpu.sem_alloc : memref<!tpu.dma_semaphore, #tpu.memory_space<semaphore_mem>>
      %dma_start3A_147 = arith.constant 0 : i32
      %dma_start3A_148 = tpu.memref_slice %arg5[%dma_start3A_147] : memref<25616xi32, #tpu.memory_space<vmem>> -> memref<25600xi32, #tpu.memory_space<vmem>>
      %dma_start3A_149 = tpu.memref_slice %arg3[%mul3A_4] : memref<819200xi32, #tpu.memory_space<hbm>> -> memref<25600xi32, #tpu.memory_space<hbm>>
      %dma_start3A_150 = arith.constant 0 : i32
      %dma_start3A_151 = tpu.memref_slice %arg5[%dma_start3A_150] : memref<25616xi32, #tpu.memory_space<vmem>> -> memref<25600xi32, #tpu.memory_space<vmem>>
      %dma_start3A_152 = tpu.memref_slice %arg3[%mul3A_4] : memref<819200xi32, #tpu.memory_space<hbm>> -> memref<25600xi32, #tpu.memory_space<hbm>>
      tpu.enqueue_dma source(%dma_start3A_152 : memref<25600xi32, #tpu.memory_space<hbm>>) target(%dma_start3A_151 : memref<25600xi32, #tpu.memory_space<vmem>>) target_semaphore(%run_scoped3A : memref<!tpu.dma_semaphore, #tpu.memory_space<semaphore_mem>>)
      %dma_wait3A_153 = arith.constant 0 : i32
      %dma_wait3A_154 = tpu.memref_slice %arg5[%dma_wait3A_153] : memref<25616xi32, #tpu.memory_space<vmem>> -> memref<25600xi32, #tpu.memory_space<vmem>>
      %dma_wait3A_155 = tpu.memref_slice %arg3[%mul3A_4] : memref<819200xi32, #tpu.memory_space<hbm>> -> memref<25600xi32, #tpu.memory_space<hbm>>
      %dma_wait3A_156 = arith.constant 0 : i32
      %dma_wait3A_157 = tpu.memref_slice %arg5[%dma_wait3A_156] : memref<25616xi32, #tpu.memory_space<vmem>> -> memref<25600xi32, #tpu.memory_space<vmem>>
      %dma_wait3A_158 = tpu.memref_slice %arg3[%mul3A_4] : memref<819200xi32, #tpu.memory_space<hbm>> -> memref<25600xi32, #tpu.memory_space<hbm>>
      tpu.wait_dma2 semaphore(%run_scoped3A : memref<!tpu.dma_semaphore, #tpu.memory_space<semaphore_mem>>) src(%dma_wait3A_158 : memref<25600xi32, #tpu.memory_space<hbm>>) dst(%dma_wait3A_157 : memref<25600xi32, #tpu.memory_space<vmem>>)
      tpu.yield
    }) : () -> ()
    %scan3A = arith.constant 0 : i32
    %scan3A_5 = arith.constant 25 : i32
    %scan3A_6 = arith.addi %scan3A, %scan3A_5 : i32
    %scan3A_7 = arith.constant 1 : i32
    scf.for %scan3A_147 = %scan3A to %scan3A_6 step %scan3A_7  : i32 {
      %mul3A_148 = arith.constant 1 : i32
      %mul3A_149 = arith.muli %scan3A_147, %mul3A_148 : i32
      %add3A_150 = arith.constant 0 : i32
      %add3A_151 = arith.addi %add3A_150, %mul3A_149 : i32
      %mul3A_152 = arith.constant 8 : i32
      %mul3A_153 = arith.muli %add3A_151, %mul3A_152 : i32
      %add3A_154 = arith.constant 0 : i32
      %add3A_155 = arith.addi %add3A_154, %mul3A_153 : i32
      %get3A = arith.index_cast %add3A_155 : i32 to index
      %get3A_156 = tpu.vector_load %arg5[%get3A] {strides = array<i32>} : memref<25616xi32, #tpu.memory_space<vmem>>, vector<16xi32>,
      %get3A_157 = vector.shape_cast %get3A_156 : vector<16xi32> to vector<16xi32>
      %slice3A = vector.extract_strided_slice %get3A_157 {offsets = [0], sizes = [1], strides = [1]} : vector<16xi32> to vector<1xi32>
      %squeeze3A = vector.extract %slice3A[0] : i32 from vector<1xi32>
      %mul3A_158 = arith.constant 8 : i32
      %mul3A_159 = arith.muli %add3A_151, %mul3A_158 : i32
      %add3A_160 = arith.constant 0 : i32
      %add3A_161 = arith.addi %mul3A_159, %add3A_160 : i32
      %dma_start3A_162 = arith.constant 0 : i32
      %dma_start3A_163 = arith.constant 0 : i32
      %dma_start3A_164 = arith.constant 0 : i32
      %dma_start3A_165 = arith.constant 0 : i32
      %dma_start3A_166 = tpu.memref_slice %arg6[%dma_start3A_163, %add3A_161, %dma_start3A_165] : memref<2x200x64xf32, #tpu.memory_space<vmem>> -> memref<1x1x64xf32, #tpu.memory_space<vmem>>
      %dma_start3A_167 = tpu.memref_squeeze %dma_start3A_166 : memref<1x1x64xf32, #tpu.memory_space<vmem>> -> memref<1x64xf32, #tpu.memory_space<vmem>>
      %dma_start3A_168 = arith.constant 0 : i32
      %dma_start3A_169 = tpu.memref_slice %arg2[%dma_start3A_162, %squeeze3A, %dma_start3A_168] : memref<1x1000000x64xf32, #tpu.memory_space<hbm>> -> memref<1x1x64xf32, #tpu.memory_space<hbm>>
      %dma_start3A_170 = tpu.memref_squeeze %dma_start3A_169 : memref<1x1x64xf32, #tpu.memory_space<hbm>> -> memref<1x64xf32, #tpu.memory_space<hbm>>
      %dma_start3A_171 = tpu.memref_slice %arg7[%dma_start3A_164] : memref<2x!tpu.dma_semaphore, #tpu.memory_space<semaphore_mem>> -> memref<1x!tpu.dma_semaphore, #tpu.memory_space<semaphore_mem>>
      %dma_start3A_172 = tpu.memref_squeeze %dma_start3A_171 : memref<1x!tpu.dma_semaphore, #tpu.memory_space<semaphore_mem>> -> memref<!tpu.dma_semaphore, #tpu.memory_space<semaphore_mem>>
      %dma_start3A_173 = arith.constant 0 : i32
      %dma_start3A_174 = tpu.memref_slice %arg6[%dma_start3A_163, %add3A_161, %dma_start3A_173] : memref<2x200x64xf32, #tpu.memory_space<vmem>> -> memref<1x1x64xf32, #tpu.memory_space<vmem>>
      %dma_start3A_175 = tpu.memref_squeeze %dma_start3A_174 : memref<1x1x64xf32, #tpu.memory_space<vmem>> -> memref<1x64xf32, #tpu.memory_space<vmem>>
      %dma_start3A_176 = arith.constant 0 : i32
      %dma_start3A_177 = tpu.memref_slice %arg2[%dma_start3A_162, %squeeze3A, %dma_start3A_176] : memref<1x1000000x64xf32, #tpu.memory_space<hbm>> -> memref<1x1x64xf32, #tpu.memory_space<hbm>>
      %dma_start3A_178 = tpu.memref_squeeze %dma_start3A_177 : memref<1x1x64xf32, #tpu.memory_space<hbm>> -> memref<1x64xf32, #tpu.memory_space<hbm>>
      tpu.enqueue_dma source(%dma_start3A_178 : memref<1x64xf32, #tpu.memory_space<hbm>>) target(%dma_start3A_175 : memref<1x64xf32, #tpu.memory_space<vmem>>) target_semaphore(%dma_start3A_172 : memref<!tpu.dma_semaphore, #tpu.memory_space<semaphore_mem>>)
      %slice3A_179 = vector.extract_strided_slice %get3A_157 {offsets = [1], sizes = [1], strides = [1]} : vector<16xi32> to vector<1xi32>
      %squeeze3A_180 = vector.extract %slice3A_179[0] : i32 from vector<1xi32>
      %mul3A_181 = arith.constant 8 : i32
      %mul3A_182 = arith.muli %add3A_151, %mul3A_181 : i32
      %add3A_183 = arith.constant 1 : i32
      %add3A_184 = arith.addi %mul3A_182, %add3A_183 : i32
      %dma_start3A_185 = arith.constant 0 : i32
      %dma_start3A_186 = arith.constant 0 : i32
      %dma_start3A_187 = arith.constant 0 : i32
      %dma_start3A_188 = arith.constant 0 : i32
      %dma_start3A_189 = tpu.memref_slice %arg6[%dma_start3A_186, %add3A_184, %dma_start3A_188] : memref<2x200x64xf32, #tpu.memory_space<vmem>> -> memref<1x1x64xf32, #tpu.memory_space<vmem>>
      %dma_start3A_190 = tpu.memref_squeeze %dma_start3A_189 : memref<1x1x64xf32, #tpu.memory_space<vmem>> -> memref<1x64xf32, #tpu.memory_space<vmem>>
      %dma_start3A_191 = arith.constant 0 : i32
      %dma_start3A_192 = tpu.memref_slice %arg2[%dma_start3A_185, %squeeze3A_180, %dma_start3A_191] : memref<1x1000000x64xf32, #tpu.memory_space<hbm>> -> memref<1x1x64xf32, #tpu.memory_space<hbm>>
      %dma_start3A_193 = tpu.memref_squeeze %dma_start3A_192 : memref<1x1x64xf32, #tpu.memory_space<hbm>> -> memref<1x64xf32, #tpu.memory_space<hbm>>
      %dma_start3A_194 = tpu.memref_slice %arg7[%dma_start3A_187] : memref<2x!tpu.dma_semaphore, #tpu.memory_space<semaphore_mem>> -> memref<1x!tpu.dma_semaphore, #tpu.memory_space<semaphore_mem>>
      %dma_start3A_195 = tpu.memref_squeeze %dma_start3A_194 : memref<1x!tpu.dma_semaphore, #tpu.memory_space<semaphore_mem>> -> memref<!tpu.dma_semaphore, #tpu.memory_space<semaphore_mem>>
      %dma_start3A_196 = arith.constant 0 : i32
      %dma_start3A_197 = tpu.memref_slice %arg6[%dma_start3A_186, %add3A_184, %dma_start3A_196] : memref<2x200x64xf32, #tpu.memory_space<vmem>> -> memref<1x1x64xf32, #tpu.memory_space<vmem>>
      %dma_start3A_198 = tpu.memref_squeeze %dma_start3A_197 : memref<1x1x64xf32, #tpu.memory_space<vmem>> -> memref<1x64xf32, #tpu.memory_space<vmem>>
      %dma_start3A_199 = arith.constant 0 : i32
      %dma_start3A_200 = tpu.memref_slice %arg2[%dma_start3A_185, %squeeze3A_180, %dma_start3A_199] : memref<1x1000000x64xf32, #tpu.memory_space<hbm>> -> memref<1x1x64xf32, #tpu.memory_space<hbm>>
      %dma_start3A_201 = tpu.memref_squeeze %dma_start3A_200 : memref<1x1x64xf32, #tpu.memory_space<hbm>> -> memref<1x64xf32, #tpu.memory_space<hbm>>
      tpu.enqueue_dma source(%dma_start3A_201 : memref<1x64xf32, #tpu.memory_space<hbm>>) target(%dma_start3A_198 : memref<1x64xf32, #tpu.memory_space<vmem>>) target_semaphore(%dma_start3A_195 : memref<!tpu.dma_semaphore, #tpu.memory_space<semaphore_mem>>)
      %slice3A_202 = vector.extract_strided_slice %get3A_157 {offsets = [2], sizes = [1], strides = [1]} : vector<16xi32> to vector<1xi32>
      %squeeze3A_203 = vector.extract %slice3A_202[0] : i32 from vector<1xi32>
      %mul3A_204 = arith.constant 8 : i32
      %mul3A_205 = arith.muli %add3A_151, %mul3A_204 : i32
      %add3A_206 = arith.constant 2 : i32
      %add3A_207 = arith.addi %mul3A_205, %add3A_206 : i32
      %dma_start3A_208 = arith.constant 0 : i32
      %dma_start3A_209 = arith.constant 0 : i32
      %dma_start3A_210 = arith.constant 0 : i32
      %dma_start3A_211 = arith.constant 0 : i32
      %dma_start3A_212 = tpu.memref_slice %arg6[%dma_start3A_209, %add3A_207, %dma_start3A_211] : memref<2x200x64xf32, #tpu.memory_space<vmem>> -> memref<1x1x64xf32, #tpu.memory_space<vmem>>
      %dma_start3A_213 = tpu.memref_squeeze %dma_start3A_212 : memref<1x1x64xf32, #tpu.memory_space<vmem>> -> memref<1x64xf32, #tpu.memory_space<vmem>>
      %dma_start3A_214 = arith.constant 0 : i32
      %dma_start3A_215 = tpu.memref_slice %arg2[%dma_start3A_208, %squeeze3A_203, %dma_start3A_214] : memref<1x1000000x64xf32, #tpu.memory_space<hbm>> -> memref<1x1x64xf32, #tpu.memory_space<hbm>>
      %dma_start3A_216 = tpu.memref_squeeze %dma_start3A_215 : memref<1x1x64xf32, #tpu.memory_space<hbm>> -> memref<1x64xf32, #tpu.memory_space<hbm>>
      %dma_start3A_217 = tpu.memref_slice %arg7[%dma_start3A_210] : memref<2x!tpu.dma_semaphore, #tpu.memory_space<semaphore_mem>> -> memref<1x!tpu.dma_semaphore, #tpu.memory_space<semaphore_mem>>
      %dma_start3A_218 = tpu.memref_squeeze %dma_start3A_217 : memref<1x!tpu.dma_semaphore, #tpu.memory_space<semaphore_mem>> -> memref<!tpu.dma_semaphore, #tpu.memory_space<semaphore_mem>>
      %dma_start3A_219 = arith.constant 0 : i32
      %dma_start3A_220 = tpu.memref_slice %arg6[%dma_start3A_209, %add3A_207, %dma_start3A_219] : memref<2x200x64xf32, #tpu.memory_space<vmem>> -> memref<1x1x64xf32, #tpu.memory_space<vmem>>
      %dma_start3A_221 = tpu.memref_squeeze %dma_start3A_220 : memref<1x1x64xf32, #tpu.memory_space<vmem>> -> memref<1x64xf32, #tpu.memory_space<vmem>>
      %dma_start3A_222 = arith.constant 0 : i32
      %dma_start3A_223 = tpu.memref_slice %arg2[%dma_start3A_208, %squeeze3A_203, %dma_start3A_222] : memref<1x1000000x64xf32, #tpu.memory_space<hbm>> -> memref<1x1x64xf32, #tpu.memory_space<hbm>>
      %dma_start3A_224 = tpu.memref_squeeze %dma_start3A_223 : memref<1x1x64xf32, #tpu.memory_space<hbm>> -> memref<1x64xf32, #tpu.memory_space<hbm>>
      tpu.enqueue_dma source(%dma_start3A_224 : memref<1x64xf32, #tpu.memory_space<hbm>>) target(%dma_start3A_221 : memref<1x64xf32, #tpu.memory_space<vmem>>) target_semaphore(%dma_start3A_218 : memref<!tpu.dma_semaphore, #tpu.memory_space<semaphore_mem>>)
      %slice3A_225 = vector.extract_strided_slice %get3A_157 {offsets = [3], sizes = [1], strides = [1]} : vector<16xi32> to vector<1xi32>
      %squeeze3A_226 = vector.extract %slice3A_225[0] : i32 from vector<1xi32>
      %mul3A_227 = arith.constant 8 : i32
      %mul3A_228 = arith.muli %add3A_151, %mul3A_227 : i32
      %add3A_229 = arith.constant 3 : i32
      %add3A_230 = arith.addi %mul3A_228, %add3A_229 : i32
      %dma_start3A_231 = arith.constant 0 : i32
      %dma_start3A_232 = arith.constant 0 : i32
      %dma_start3A_233 = arith.constant 0 : i32
      %dma_start3A_234 = arith.constant 0 : i32
      %dma_start3A_235 = tpu.memref_slice %arg6[%dma_start3A_232, %add3A_230, %dma_start3A_234] : memref<2x200x64xf32, #tpu.memory_space<vmem>> -> memref<1x1x64xf32, #tpu.memory_space<vmem>>
      %dma_start3A_236 = tpu.memref_squeeze %dma_start3A_235 : memref<1x1x64xf32, #tpu.memory_space<vmem>> -> memref<1x64xf32, #tpu.memory_space<vmem>>
      %dma_start3A_237 = arith.constant 0 : i32
      %dma_start3A_238 = tpu.memref_slice %arg2[%dma_start3A_231, %squeeze3A_226, %dma_start3A_237] : memref<1x1000000x64xf32, #tpu.memory_space<hbm>> -> memref<1x1x64xf32, #tpu.memory_space<hbm>>
      %dma_start3A_239 = tpu.memref_squeeze %dma_start3A_238 : memref<1x1x64xf32, #tpu.memory_space<hbm>> -> memref<1x64xf32, #tpu.memory_space<hbm>>
      %dma_start3A_240 = tpu.memref_slice %arg7[%dma_start3A_233] : memref<2x!tpu.dma_semaphore, #tpu.memory_space<semaphore_mem>> -> memref<1x!tpu.dma_semaphore, #tpu.memory_space<semaphore_mem>>
      %dma_start3A_241 = tpu.memref_squeeze %dma_start3A_240 : memref<1x!tpu.dma_semaphore, #tpu.memory_space<semaphore_mem>> -> memref<!tpu.dma_semaphore, #tpu.memory_space<semaphore_mem>>
      %dma_start3A_242 = arith.constant 0 : i32
      %dma_start3A_243 = tpu.memref_slice %arg6[%dma_start3A_232, %add3A_230, %dma_start3A_242] : memref<2x200x64xf32, #tpu.memory_space<vmem>> -> memref<1x1x64xf32, #tpu.memory_space<vmem>>
      %dma_start3A_244 = tpu.memref_squeeze %dma_start3A_243 : memref<1x1x64xf32, #tpu.memory_space<vmem>> -> memref<1x64xf32, #tpu.memory_space<vmem>>
      %dma_start3A_245 = arith.constant 0 : i32
      %dma_start3A_246 = tpu.memref_slice %arg2[%dma_start3A_231, %squeeze3A_226, %dma_start3A_245] : memref<1x1000000x64xf32, #tpu.memory_space<hbm>> -> memref<1x1x64xf32, #tpu.memory_space<hbm>>
      %dma_start3A_247 = tpu.memref_squeeze %dma_start3A_246 : memref<1x1x64xf32, #tpu.memory_space<hbm>> -> memref<1x64xf32, #tpu.memory_space<hbm>>
      tpu.enqueue_dma source(%dma_start3A_247 : memref<1x64xf32, #tpu.memory_space<hbm>>) target(%dma_start3A_244 : memref<1x64xf32, #tpu.memory_space<vmem>>) target_semaphore(%dma_start3A_241 : memref<!tpu.dma_semaphore, #tpu.memory_space<semaphore_mem>>)
      %slice3A_248 = vector.extract_strided_slice %get3A_157 {offsets = [4], sizes = [1], strides = [1]} : vector<16xi32> to vector<1xi32>
      %squeeze3A_249 = vector.extract %slice3A_248[0] : i32 from vector<1xi32>
      %mul3A_250 = arith.constant 8 : i32
      %mul3A_251 = arith.muli %add3A_151, %mul3A_250 : i32
      %add3A_252 = arith.constant 4 : i32
      %add3A_253 = arith.addi %mul3A_251, %add3A_252 : i32
      %dma_start3A_254 = arith.constant 0 : i32
      %dma_start3A_255 = arith.constant 0 : i32
      %dma_start3A_256 = arith.constant 0 : i32
      %dma_start3A_257 = arith.constant 0 : i32
      %dma_start3A_258 = tpu.memref_slice %arg6[%dma_start3A_255, %add3A_253, %dma_start3A_257] : memref<2x200x64xf32, #tpu.memory_space<vmem>> -> memref<1x1x64xf32, #tpu.memory_space<vmem>>
      %dma_start3A_259 = tpu.memref_squeeze %dma_start3A_258 : memref<1x1x64xf32, #tpu.memory_space<vmem>> -> memref<1x64xf32, #tpu.memory_space<vmem>>
      %dma_start3A_260 = arith.constant 0 : i32
      %dma_start3A_261 = tpu.memref_slice %arg2[%dma_start3A_254, %squeeze3A_249, %dma_start3A_260] : memref<1x1000000x64xf32, #tpu.memory_space<hbm>> -> memref<1x1x64xf32, #tpu.memory_space<hbm>>
      %dma_start3A_262 = tpu.memref_squeeze %dma_start3A_261 : memref<1x1x64xf32, #tpu.memory_space<hbm>> -> memref<1x64xf32, #tpu.memory_space<hbm>>
      %dma_start3A_263 = tpu.memref_slice %arg7[%dma_start3A_256] : memref<2x!tpu.dma_semaphore, #tpu.memory_space<semaphore_mem>> -> memref<1x!tpu.dma_semaphore, #tpu.memory_space<semaphore_mem>>
      %dma_start3A_264 = tpu.memref_squeeze %dma_start3A_263 : memref<1x!tpu.dma_semaphore, #tpu.memory_space<semaphore_mem>> -> memref<!tpu.dma_semaphore, #tpu.memory_space<semaphore_mem>>
      %dma_start3A_265 = arith.constant 0 : i32
      %dma_start3A_266 = tpu.memref_slice %arg6[%dma_start3A_255, %add3A_253, %dma_start3A_265] : memref<2x200x64xf32, #tpu.memory_space<vmem>> -> memref<1x1x64xf32, #tpu.memory_space<vmem>>
      %dma_start3A_267 = tpu.memref_squeeze %dma_start3A_266 : memref<1x1x64xf32, #tpu.memory_space<vmem>> -> memref<1x64xf32, #tpu.memory_space<vmem>>
      %dma_start3A_268 = arith.constant 0 : i32
      %dma_start3A_269 = tpu.memref_slice %arg2[%dma_start3A_254, %squeeze3A_249, %dma_start3A_268] : memref<1x1000000x64xf32, #tpu.memory_space<hbm>> -> memref<1x1x64xf32, #tpu.memory_space<hbm>>
      %dma_start3A_270 = tpu.memref_squeeze %dma_start3A_269 : memref<1x1x64xf32, #tpu.memory_space<hbm>> -> memref<1x64xf32, #tpu.memory_space<hbm>>
      tpu.enqueue_dma source(%dma_start3A_270 : memref<1x64xf32, #tpu.memory_space<hbm>>) target(%dma_start3A_267 : memref<1x64xf32, #tpu.memory_space<vmem>>) target_semaphore(%dma_start3A_264 : memref<!tpu.dma_semaphore, #tpu.memory_space<semaphore_mem>>)
      %slice3A_271 = vector.extract_strided_slice %get3A_157 {offsets = [5], sizes = [1], strides = [1]} : vector<16xi32> to vector<1xi32>
      %squeeze3A_272 = vector.extract %slice3A_271[0] : i32 from vector<1xi32>
      %mul3A_273 = arith.constant 8 : i32
      %mul3A_274 = arith.muli %add3A_151, %mul3A_273 : i32
      %add3A_275 = arith.constant 5 : i32
      %add3A_276 = arith.addi %mul3A_274, %add3A_275 : i32
      %dma_start3A_277 = arith.constant 0 : i32
      %dma_start3A_278 = arith.constant 0 : i32
      %dma_start3A_279 = arith.constant 0 : i32
      %dma_start3A_280 = arith.constant 0 : i32
      %dma_start3A_281 = tpu.memref_slice %arg6[%dma_start3A_278, %add3A_276, %dma_start3A_280] : memref<2x200x64xf32, #tpu.memory_space<vmem>> -> memref<1x1x64xf32, #tpu.memory_space<vmem>>
      %dma_start3A_282 = tpu.memref_squeeze %dma_start3A_281 : memref<1x1x64xf32, #tpu.memory_space<vmem>> -> memref<1x64xf32, #tpu.memory_space<vmem>>
      %dma_start3A_283 = arith.constant 0 : i32
      %dma_start3A_284 = tpu.memref_slice %arg2[%dma_start3A_277, %squeeze3A_272, %dma_start3A_283] : memref<1x1000000x64xf32, #tpu.memory_space<hbm>> -> memref<1x1x64xf32, #tpu.memory_space<hbm>>
      %dma_start3A_285 = tpu.memref_squeeze %dma_start3A_284 : memref<1x1x64xf32, #tpu.memory_space<hbm>> -> memref<1x64xf32, #tpu.memory_space<hbm>>
      %dma_start3A_286 = tpu.memref_slice %arg7[%dma_start3A_279] : memref<2x!tpu.dma_semaphore, #tpu.memory_space<semaphore_mem>> -> memref<1x!tpu.dma_semaphore, #tpu.memory_space<semaphore_mem>>
      %dma_start3A_287 = tpu.memref_squeeze %dma_start3A_286 : memref<1x!tpu.dma_semaphore, #tpu.memory_space<semaphore_mem>> -> memref<!tpu.dma_semaphore, #tpu.memory_space<semaphore_mem>>
      %dma_start3A_288 = arith.constant 0 : i32
      %dma_start3A_289 = tpu.memref_slice %arg6[%dma_start3A_278, %add3A_276, %dma_start3A_288] : memref<2x200x64xf32, #tpu.memory_space<vmem>> -> memref<1x1x64xf32, #tpu.memory_space<vmem>>
      %dma_start3A_290 = tpu.memref_squeeze %dma_start3A_289 : memref<1x1x64xf32, #tpu.memory_space<vmem>> -> memref<1x64xf32, #tpu.memory_space<vmem>>
      %dma_start3A_291 = arith.constant 0 : i32
      %dma_start3A_292 = tpu.memref_slice %arg2[%dma_start3A_277, %squeeze3A_272, %dma_start3A_291] : memref<1x1000000x64xf32, #tpu.memory_space<hbm>> -> memref<1x1x64xf32, #tpu.memory_space<hbm>>
      %dma_start3A_293 = tpu.memref_squeeze %dma_start3A_292 : memref<1x1x64xf32, #tpu.memory_space<hbm>> -> memref<1x64xf32, #tpu.memory_space<hbm>>
      tpu.enqueue_dma source(%dma_start3A_293 : memref<1x64xf32, #tpu.memory_space<hbm>>) target(%dma_start3A_290 : memref<1x64xf32, #tpu.memory_space<vmem>>) target_semaphore(%dma_start3A_287 : memref<!tpu.dma_semaphore, #tpu.memory_space<semaphore_mem>>)
      %slice3A_294 = vector.extract_strided_slice %get3A_157 {offsets = [6], sizes = [1], strides = [1]} : vector<16xi32> to vector<1xi32>
      %squeeze3A_295 = vector.extract %slice3A_294[0] : i32 from vector<1xi32>
      %mul3A_296 = arith.constant 8 : i32
      %mul3A_297 = arith.muli %add3A_151, %mul3A_296 : i32
      %add3A_298 = arith.constant 6 : i32
      %add3A_299 = arith.addi %mul3A_297, %add3A_298 : i32
      %dma_start3A_300 = arith.constant 0 : i32
      %dma_start3A_301 = arith.constant 0 : i32
      %dma_start3A_302 = arith.constant 0 : i32
      %dma_start3A_303 = arith.constant 0 : i32
      %dma_start3A_304 = tpu.memref_slice %arg6[%dma_start3A_301, %add3A_299, %dma_start3A_303] : memref<2x200x64xf32, #tpu.memory_space<vmem>> -> memref<1x1x64xf32, #tpu.memory_space<vmem>>
      %dma_start3A_305 = tpu.memref_squeeze %dma_start3A_304 : memref<1x1x64xf32, #tpu.memory_space<vmem>> -> memref<1x64xf32, #tpu.memory_space<vmem>>
      %dma_start3A_306 = arith.constant 0 : i32
      %dma_start3A_307 = tpu.memref_slice %arg2[%dma_start3A_300, %squeeze3A_295, %dma_start3A_306] : memref<1x1000000x64xf32, #tpu.memory_space<hbm>> -> memref<1x1x64xf32, #tpu.memory_space<hbm>>
      %dma_start3A_308 = tpu.memref_squeeze %dma_start3A_307 : memref<1x1x64xf32, #tpu.memory_space<hbm>> -> memref<1x64xf32, #tpu.memory_space<hbm>>
      %dma_start3A_309 = tpu.memref_slice %arg7[%dma_start3A_302] : memref<2x!tpu.dma_semaphore, #tpu.memory_space<semaphore_mem>> -> memref<1x!tpu.dma_semaphore, #tpu.memory_space<semaphore_mem>>
      %dma_start3A_310 = tpu.memref_squeeze %dma_start3A_309 : memref<1x!tpu.dma_semaphore, #tpu.memory_space<semaphore_mem>> -> memref<!tpu.dma_semaphore, #tpu.memory_space<semaphore_mem>>
      %dma_start3A_311 = arith.constant 0 : i32
      %dma_start3A_312 = tpu.memref_slice %arg6[%dma_start3A_301, %add3A_299, %dma_start3A_311] : memref<2x200x64xf32, #tpu.memory_space<vmem>> -> memref<1x1x64xf32, #tpu.memory_space<vmem>>
      %dma_start3A_313 = tpu.memref_squeeze %dma_start3A_312 : memref<1x1x64xf32, #tpu.memory_space<vmem>> -> memref<1x64xf32, #tpu.memory_space<vmem>>
      %dma_start3A_314 = arith.constant 0 : i32
      %dma_start3A_315 = tpu.memref_slice %arg2[%dma_start3A_300, %squeeze3A_295, %dma_start3A_314] : memref<1x1000000x64xf32, #tpu.memory_space<hbm>> -> memref<1x1x64xf32, #tpu.memory_space<hbm>>
      %dma_start3A_316 = tpu.memref_squeeze %dma_start3A_315 : memref<1x1x64xf32, #tpu.memory_space<hbm>> -> memref<1x64xf32, #tpu.memory_space<hbm>>
      tpu.enqueue_dma source(%dma_start3A_316 : memref<1x64xf32, #tpu.memory_space<hbm>>) target(%dma_start3A_313 : memref<1x64xf32, #tpu.memory_space<vmem>>) target_semaphore(%dma_start3A_310 : memref<!tpu.dma_semaphore, #tpu.memory_space<semaphore_mem>>)
      %slice3A_317 = vector.extract_strided_slice %get3A_157 {offsets = [7], sizes = [1], strides = [1]} : vector<16xi32> to vector<1xi32>
      %squeeze3A_318 = vector.extract %slice3A_317[0] : i32 from vector<1xi32>
      %mul3A_319 = arith.constant 8 : i32
      %mul3A_320 = arith.muli %add3A_151, %mul3A_319 : i32
      %add3A_321 = arith.constant 7 : i32
      %add3A_322 = arith.addi %mul3A_320, %add3A_321 : i32
      %dma_start3A_323 = arith.constant 0 : i32
      %dma_start3A_324 = arith.constant 0 : i32
      %dma_start3A_325 = arith.constant 0 : i32
      %dma_start3A_326 = arith.constant 0 : i32
      %dma_start3A_327 = tpu.memref_slice %arg6[%dma_start3A_324, %add3A_322, %dma_start3A_326] : memref<2x200x64xf32, #tpu.memory_space<vmem>> -> memref<1x1x64xf32, #tpu.memory_space<vmem>>
      %dma_start3A_328 = tpu.memref_squeeze %dma_start3A_327 : memref<1x1x64xf32, #tpu.memory_space<vmem>> -> memref<1x64xf32, #tpu.memory_space<vmem>>
      %dma_start3A_329 = arith.constant 0 : i32
      %dma_start3A_330 = tpu.memref_slice %arg2[%dma_start3A_323, %squeeze3A_318, %dma_start3A_329] : memref<1x1000000x64xf32, #tpu.memory_space<hbm>> -> memref<1x1x64xf32, #tpu.memory_space<hbm>>
      %dma_start3A_331 = tpu.memref_squeeze %dma_start3A_330 : memref<1x1x64xf32, #tpu.memory_space<hbm>> -> memref<1x64xf32, #tpu.memory_space<hbm>>
      %dma_start3A_332 = tpu.memref_slice %arg7[%dma_start3A_325] : memref<2x!tpu.dma_semaphore, #tpu.memory_space<semaphore_mem>> -> memref<1x!tpu.dma_semaphore, #tpu.memory_space<semaphore_mem>>
      %dma_start3A_333 = tpu.memref_squeeze %dma_start3A_332 : memref<1x!tpu.dma_semaphore, #tpu.memory_space<semaphore_mem>> -> memref<!tpu.dma_semaphore, #tpu.memory_space<semaphore_mem>>
      %dma_start3A_334 = arith.constant 0 : i32
      %dma_start3A_335 = tpu.memref_slice %arg6[%dma_start3A_324, %add3A_322, %dma_start3A_334] : memref<2x200x64xf32, #tpu.memory_space<vmem>> -> memref<1x1x64xf32, #tpu.memory_space<vmem>>
      %dma_start3A_336 = tpu.memref_squeeze %dma_start3A_335 : memref<1x1x64xf32, #tpu.memory_space<vmem>> -> memref<1x64xf32, #tpu.memory_space<vmem>>
      %dma_start3A_337 = arith.constant 0 : i32
      %dma_start3A_338 = tpu.memref_slice %arg2[%dma_start3A_323, %squeeze3A_318, %dma_start3A_337] : memref<1x1000000x64xf32, #tpu.memory_space<hbm>> -> memref<1x1x64xf32, #tpu.memory_space<hbm>>
      %dma_start3A_339 = tpu.memref_squeeze %dma_start3A_338 : memref<1x1x64xf32, #tpu.memory_space<hbm>> -> memref<1x64xf32, #tpu.memory_space<hbm>>
      tpu.enqueue_dma source(%dma_start3A_339 : memref<1x64xf32, #tpu.memory_space<hbm>>) target(%dma_start3A_336 : memref<1x64xf32, #tpu.memory_space<vmem>>) target_semaphore(%dma_start3A_333 : memref<!tpu.dma_semaphore, #tpu.memory_space<semaphore_mem>>)
    }
    %scan3A_8 = arith.constant 25 : i32
    %scan3A_9 = arith.constant 0 : i32
    %scan3A_10 = arith.constant 25 : i32
    %scan3A_11 = arith.addi %scan3A_9, %scan3A_10 : i32
    %scan3A_12 = arith.constant 1 : i32
    scf.for %scan3A_147 = %scan3A_9 to %scan3A_11 step %scan3A_12  : i32 {
      %mul3A_148 = arith.constant 1 : i32
      %mul3A_149 = arith.muli %scan3A_147, %mul3A_148 : i32
      %add3A_150 = arith.constant 0 : i32
      %add3A_151 = arith.addi %add3A_150, %mul3A_149 : i32
      %mul3A_152 = arith.constant 8 : i32
      %mul3A_153 = arith.muli %add3A_151, %mul3A_152 : i32
      %add3A_154 = arith.constant 200 : i32
      %add3A_155 = arith.addi %add3A_154, %mul3A_153 : i32
      %get3A = arith.index_cast %add3A_155 : i32 to index
      %get3A_156 = tpu.vector_load %arg5[%get3A] {strides = array<i32>} : memref<25616xi32, #tpu.memory_space<vmem>>, vector<16xi32>,
      %get3A_157 = vector.shape_cast %get3A_156 : vector<16xi32> to vector<16xi32>
      %slice3A = vector.extract_strided_slice %get3A_157 {offsets = [0], sizes = [1], strides = [1]} : vector<16xi32> to vector<1xi32>
      %squeeze3A = vector.extract %slice3A[0] : i32 from vector<1xi32>
      %mul3A_158 = arith.constant 8 : i32
      %mul3A_159 = arith.muli %add3A_151, %mul3A_158 : i32
      %add3A_160 = arith.constant 0 : i32
      %add3A_161 = arith.addi %mul3A_159, %add3A_160 : i32
      %dma_start3A_162 = arith.constant 0 : i32
      %dma_start3A_163 = arith.constant 1 : i32
      %dma_start3A_164 = arith.constant 1 : i32
      %dma_start3A_165 = arith.constant 0 : i32
      %dma_start3A_166 = tpu.memref_slice %arg6[%dma_start3A_163, %add3A_161, %dma_start3A_165] : memref<2x200x64xf32, #tpu.memory_space<vmem>> -> memref<1x1x64xf32, #tpu.memory_space<vmem>>
      %dma_start3A_167 = tpu.memref_squeeze %dma_start3A_166 : memref<1x1x64xf32, #tpu.memory_space<vmem>> -> memref<1x64xf32, #tpu.memory_space<vmem>>
      %dma_start3A_168 = arith.constant 0 : i32
      %dma_start3A_169 = tpu.memref_slice %arg2[%dma_start3A_162, %squeeze3A, %dma_start3A_168] : memref<1x1000000x64xf32, #tpu.memory_space<hbm>> -> memref<1x1x64xf32, #tpu.memory_space<hbm>>
      %dma_start3A_170 = tpu.memref_squeeze %dma_start3A_169 : memref<1x1x64xf32, #tpu.memory_space<hbm>> -> memref<1x64xf32, #tpu.memory_space<hbm>>
      %dma_start3A_171 = tpu.memref_slice %arg7[%dma_start3A_164] : memref<2x!tpu.dma_semaphore, #tpu.memory_space<semaphore_mem>> -> memref<1x!tpu.dma_semaphore, #tpu.memory_space<semaphore_mem>>
      %dma_start3A_172 = tpu.memref_squeeze %dma_start3A_171 : memref<1x!tpu.dma_semaphore, #tpu.memory_space<semaphore_mem>> -> memref<!tpu.dma_semaphore, #tpu.memory_space<semaphore_mem>>
      %dma_start3A_173 = arith.constant 0 : i32
      %dma_start3A_174 = tpu.memref_slice %arg6[%dma_start3A_163, %add3A_161, %dma_start3A_173] : memref<2x200x64xf32, #tpu.memory_space<vmem>> -> memref<1x1x64xf32, #tpu.memory_space<vmem>>
      %dma_start3A_175 = tpu.memref_squeeze %dma_start3A_174 : memref<1x1x64xf32, #tpu.memory_space<vmem>> -> memref<1x64xf32, #tpu.memory_space<vmem>>
      %dma_start3A_176 = arith.constant 0 : i32
      %dma_start3A_177 = tpu.memref_slice %arg2[%dma_start3A_162, %squeeze3A, %dma_start3A_176] : memref<1x1000000x64xf32, #tpu.memory_space<hbm>> -> memref<1x1x64xf32, #tpu.memory_space<hbm>>
      %dma_start3A_178 = tpu.memref_squeeze %dma_start3A_177 : memref<1x1x64xf32, #tpu.memory_space<hbm>> -> memref<1x64xf32, #tpu.memory_space<hbm>>
      tpu.enqueue_dma source(%dma_start3A_178 : memref<1x64xf32, #tpu.memory_space<hbm>>) target(%dma_start3A_175 : memref<1x64xf32, #tpu.memory_space<vmem>>) target_semaphore(%dma_start3A_172 : memref<!tpu.dma_semaphore, #tpu.memory_space<semaphore_mem>>)
      %slice3A_179 = vector.extract_strided_slice %get3A_157 {offsets = [1], sizes = [1], strides = [1]} : vector<16xi32> to vector<1xi32>
      %squeeze3A_180 = vector.extract %slice3A_179[0] : i32 from vector<1xi32>
      %mul3A_181 = arith.constant 8 : i32
      %mul3A_182 = arith.muli %add3A_151, %mul3A_181 : i32
      %add3A_183 = arith.constant 1 : i32
      %add3A_184 = arith.addi %mul3A_182, %add3A_183 : i32
      %dma_start3A_185 = arith.constant 0 : i32
      %dma_start3A_186 = arith.constant 1 : i32
      %dma_start3A_187 = arith.constant 1 : i32
      %dma_start3A_188 = arith.constant 0 : i32
      %dma_start3A_189 = tpu.memref_slice %arg6[%dma_start3A_186, %add3A_184, %dma_start3A_188] : memref<2x200x64xf32, #tpu.memory_space<vmem>> -> memref<1x1x64xf32, #tpu.memory_space<vmem>>
      %dma_start3A_190 = tpu.memref_squeeze %dma_start3A_189 : memref<1x1x64xf32, #tpu.memory_space<vmem>> -> memref<1x64xf32, #tpu.memory_space<vmem>>
      %dma_start3A_191 = arith.constant 0 : i32
      %dma_start3A_192 = tpu.memref_slice %arg2[%dma_start3A_185, %squeeze3A_180, %dma_start3A_191] : memref<1x1000000x64xf32, #tpu.memory_space<hbm>> -> memref<1x1x64xf32, #tpu.memory_space<hbm>>
      %dma_start3A_193 = tpu.memref_squeeze %dma_start3A_192 : memref<1x1x64xf32, #tpu.memory_space<hbm>> -> memref<1x64xf32, #tpu.memory_space<hbm>>
      %dma_start3A_194 = tpu.memref_slice %arg7[%dma_start3A_187] : memref<2x!tpu.dma_semaphore, #tpu.memory_space<semaphore_mem>> -> memref<1x!tpu.dma_semaphore, #tpu.memory_space<semaphore_mem>>
      %dma_start3A_195 = tpu.memref_squeeze %dma_start3A_194 : memref<1x!tpu.dma_semaphore, #tpu.memory_space<semaphore_mem>> -> memref<!tpu.dma_semaphore, #tpu.memory_space<semaphore_mem>>
      %dma_start3A_196 = arith.constant 0 : i32
      %dma_start3A_197 = tpu.memref_slice %arg6[%dma_start3A_186, %add3A_184, %dma_start3A_196] : memref<2x200x64xf32, #tpu.memory_space<vmem>> -> memref<1x1x64xf32, #tpu.memory_space<vmem>>
      %dma_start3A_198 = tpu.memref_squeeze %dma_start3A_197 : memref<1x1x64xf32, #tpu.memory_space<vmem>> -> memref<1x64xf32, #tpu.memory_space<vmem>>
      %dma_start3A_199 = arith.constant 0 : i32
      %dma_start3A_200 = tpu.memref_slice %arg2[%dma_start3A_185, %squeeze3A_180, %dma_start3A_199] : memref<1x1000000x64xf32, #tpu.memory_space<hbm>> -> memref<1x1x64xf32, #tpu.memory_space<hbm>>
      %dma_start3A_201 = tpu.memref_squeeze %dma_start3A_200 : memref<1x1x64xf32, #tpu.memory_space<hbm>> -> memref<1x64xf32, #tpu.memory_space<hbm>>
      tpu.enqueue_dma source(%dma_start3A_201 : memref<1x64xf32, #tpu.memory_space<hbm>>) target(%dma_start3A_198 : memref<1x64xf32, #tpu.memory_space<vmem>>) target_semaphore(%dma_start3A_195 : memref<!tpu.dma_semaphore, #tpu.memory_space<semaphore_mem>>)
      %slice3A_202 = vector.extract_strided_slice %get3A_157 {offsets = [2], sizes = [1], strides = [1]} : vector<16xi32> to vector<1xi32>
      %squeeze3A_203 = vector.extract %slice3A_202[0] : i32 from vector<1xi32>
      %mul3A_204 = arith.constant 8 : i32
      %mul3A_205 = arith.muli %add3A_151, %mul3A_204 : i32
      %add3A_206 = arith.constant 2 : i32
      %add3A_207 = arith.addi %mul3A_205, %add3A_206 : i32
      %dma_start3A_208 = arith.constant 0 : i32
      %dma_start3A_209 = arith.constant 1 : i32
      %dma_start3A_210 = arith.constant 1 : i32
      %dma_start3A_211 = arith.constant 0 : i32
      %dma_start3A_212 = tpu.memref_slice %arg6[%dma_start3A_209, %add3A_207, %dma_start3A_211] : memref<2x200x64xf32, #tpu.memory_space<vmem>> -> memref<1x1x64xf32, #tpu.memory_space<vmem>>
      %dma_start3A_213 = tpu.memref_squeeze %dma_start3A_212 : memref<1x1x64xf32, #tpu.memory_space<vmem>> -> memref<1x64xf32, #tpu.memory_space<vmem>>
      %dma_start3A_214 = arith.constant 0 : i32
      %dma_start3A_215 = tpu.memref_slice %arg2[%dma_start3A_208, %squeeze3A_203, %dma_start3A_214] : memref<1x1000000x64xf32, #tpu.memory_space<hbm>> -> memref<1x1x64xf32, #tpu.memory_space<hbm>>
      %dma_start3A_216 = tpu.memref_squeeze %dma_start3A_215 : memref<1x1x64xf32, #tpu.memory_space<hbm>> -> memref<1x64xf32, #tpu.memory_space<hbm>>
      %dma_start3A_217 = tpu.memref_slice %arg7[%dma_start3A_210] : memref<2x!tpu.dma_semaphore, #tpu.memory_space<semaphore_mem>> -> memref<1x!tpu.dma_semaphore, #tpu.memory_space<semaphore_mem>>
      %dma_start3A_218 = tpu.memref_squeeze %dma_start3A_217 : memref<1x!tpu.dma_semaphore, #tpu.memory_space<semaphore_mem>> -> memref<!tpu.dma_semaphore, #tpu.memory_space<semaphore_mem>>
      %dma_start3A_219 = arith.constant 0 : i32
      %dma_start3A_220 = tpu.memref_slice %arg6[%dma_start3A_209, %add3A_207, %dma_start3A_219] : memref<2x200x64xf32, #tpu.memory_space<vmem>> -> memref<1x1x64xf32, #tpu.memory_space<vmem>>
      %dma_start3A_221 = tpu.memref_squeeze %dma_start3A_220 : memref<1x1x64xf32, #tpu.memory_space<vmem>> -> memref<1x64xf32, #tpu.memory_space<vmem>>
      %dma_start3A_222 = arith.constant 0 : i32
      %dma_start3A_223 = tpu.memref_slice %arg2[%dma_start3A_208, %squeeze3A_203, %dma_start3A_222] : memref<1x1000000x64xf32, #tpu.memory_space<hbm>> -> memref<1x1x64xf32, #tpu.memory_space<hbm>>
      %dma_start3A_224 = tpu.memref_squeeze %dma_start3A_223 : memref<1x1x64xf32, #tpu.memory_space<hbm>> -> memref<1x64xf32, #tpu.memory_space<hbm>>
      tpu.enqueue_dma source(%dma_start3A_224 : memref<1x64xf32, #tpu.memory_space<hbm>>) target(%dma_start3A_221 : memref<1x64xf32, #tpu.memory_space<vmem>>) target_semaphore(%dma_start3A_218 : memref<!tpu.dma_semaphore, #tpu.memory_space<semaphore_mem>>)
      %slice3A_225 = vector.extract_strided_slice %get3A_157 {offsets = [3], sizes = [1], strides = [1]} : vector<16xi32> to vector<1xi32>
      %squeeze3A_226 = vector.extract %slice3A_225[0] : i32 from vector<1xi32>
      %mul3A_227 = arith.constant 8 : i32
      %mul3A_228 = arith.muli %add3A_151, %mul3A_227 : i32
      %add3A_229 = arith.constant 3 : i32
      %add3A_230 = arith.addi %mul3A_228, %add3A_229 : i32
      %dma_start3A_231 = arith.constant 0 : i32
      %dma_start3A_232 = arith.constant 1 : i32
      %dma_start3A_233 = arith.constant 1 : i32
      %dma_start3A_234 = arith.constant 0 : i32
      %dma_start3A_235 = tpu.memref_slice %arg6[%dma_start3A_232, %add3A_230, %dma_start3A_234] : memref<2x200x64xf32, #tpu.memory_space<vmem>> -> memref<1x1x64xf32, #tpu.memory_space<vmem>>
      %dma_start3A_236 = tpu.memref_squeeze %dma_start3A_235 : memref<1x1x64xf32, #tpu.memory_space<vmem>> -> memref<1x64xf32, #tpu.memory_space<vmem>>
      %dma_start3A_237 = arith.constant 0 : i32
      %dma_start3A_238 = tpu.memref_slice %arg2[%dma_start3A_231, %squeeze3A_226, %dma_start3A_237] : memref<1x1000000x64xf32, #tpu.memory_space<hbm>> -> memref<1x1x64xf32, #tpu.memory_space<hbm>>
      %dma_start3A_239 = tpu.memref_squeeze %dma_start3A_238 : memref<1x1x64xf32, #tpu.memory_space<hbm>> -> memref<1x64xf32, #tpu.memory_space<hbm>>
      %dma_start3A_240 = tpu.memref_slice %arg7[%dma_start3A_233] : memref<2x!tpu.dma_semaphore, #tpu.memory_space<semaphore_mem>> -> memref<1x!tpu.dma_semaphore, #tpu.memory_space<semaphore_mem>>
      %dma_start3A_241 = tpu.memref_squeeze %dma_start3A_240 : memref<1x!tpu.dma_semaphore, #tpu.memory_space<semaphore_mem>> -> memref<!tpu.dma_semaphore, #tpu.memory_space<semaphore_mem>>
      %dma_start3A_242 = arith.constant 0 : i32
      %dma_start3A_243 = tpu.memref_slice %arg6[%dma_start3A_232, %add3A_230, %dma_start3A_242] : memref<2x200x64xf32, #tpu.memory_space<vmem>> -> memref<1x1x64xf32, #tpu.memory_space<vmem>>
      %dma_start3A_244 = tpu.memref_squeeze %dma_start3A_243 : memref<1x1x64xf32, #tpu.memory_space<vmem>> -> memref<1x64xf32, #tpu.memory_space<vmem>>
      %dma_start3A_245 = arith.constant 0 : i32
      %dma_start3A_246 = tpu.memref_slice %arg2[%dma_start3A_231, %squeeze3A_226, %dma_start3A_245] : memref<1x1000000x64xf32, #tpu.memory_space<hbm>> -> memref<1x1x64xf32, #tpu.memory_space<hbm>>
      %dma_start3A_247 = tpu.memref_squeeze %dma_start3A_246 : memref<1x1x64xf32, #tpu.memory_space<hbm>> -> memref<1x64xf32, #tpu.memory_space<hbm>>
      tpu.enqueue_dma source(%dma_start3A_247 : memref<1x64xf32, #tpu.memory_space<hbm>>) target(%dma_start3A_244 : memref<1x64xf32, #tpu.memory_space<vmem>>) target_semaphore(%dma_start3A_241 : memref<!tpu.dma_semaphore, #tpu.memory_space<semaphore_mem>>)
      %slice3A_248 = vector.extract_strided_slice %get3A_157 {offsets = [4], sizes = [1], strides = [1]} : vector<16xi32> to vector<1xi32>
      %squeeze3A_249 = vector.extract %slice3A_248[0] : i32 from vector<1xi32>
      %mul3A_250 = arith.constant 8 : i32
      %mul3A_251 = arith.muli %add3A_151, %mul3A_250 : i32
      %add3A_252 = arith.constant 4 : i32
      %add3A_253 = arith.addi %mul3A_251, %add3A_252 : i32
      %dma_start3A_254 = arith.constant 0 : i32
      %dma_start3A_255 = arith.constant 1 : i32
      %dma_start3A_256 = arith.constant 1 : i32
      %dma_start3A_257 = arith.constant 0 : i32
      %dma_start3A_258 = tpu.memref_slice %arg6[%dma_start3A_255, %add3A_253, %dma_start3A_257] : memref<2x200x64xf32, #tpu.memory_space<vmem>> -> memref<1x1x64xf32, #tpu.memory_space<vmem>>
      %dma_start3A_259 = tpu.memref_squeeze %dma_start3A_258 : memref<1x1x64xf32, #tpu.memory_space<vmem>> -> memref<1x64xf32, #tpu.memory_space<vmem>>
      %dma_start3A_260 = arith.constant 0 : i32
      %dma_start3A_261 = tpu.memref_slice %arg2[%dma_start3A_254, %squeeze3A_249, %dma_start3A_260] : memref<1x1000000x64xf32, #tpu.memory_space<hbm>> -> memref<1x1x64xf32, #tpu.memory_space<hbm>>
      %dma_start3A_262 = tpu.memref_squeeze %dma_start3A_261 : memref<1x1x64xf32, #tpu.memory_space<hbm>> -> memref<1x64xf32, #tpu.memory_space<hbm>>
      %dma_start3A_263 = tpu.memref_slice %arg7[%dma_start3A_256] : memref<2x!tpu.dma_semaphore, #tpu.memory_space<semaphore_mem>> -> memref<1x!tpu.dma_semaphore, #tpu.memory_space<semaphore_mem>>
      %dma_start3A_264 = tpu.memref_squeeze %dma_start3A_263 : memref<1x!tpu.dma_semaphore, #tpu.memory_space<semaphore_mem>> -> memref<!tpu.dma_semaphore, #tpu.memory_space<semaphore_mem>>
      %dma_start3A_265 = arith.constant 0 : i32
      %dma_start3A_266 = tpu.memref_slice %arg6[%dma_start3A_255, %add3A_253, %dma_start3A_265] : memref<2x200x64xf32, #tpu.memory_space<vmem>> -> memref<1x1x64xf32, #tpu.memory_space<vmem>>
      %dma_start3A_267 = tpu.memref_squeeze %dma_start3A_266 : memref<1x1x64xf32, #tpu.memory_space<vmem>> -> memref<1x64xf32, #tpu.memory_space<vmem>>
      %dma_start3A_268 = arith.constant 0 : i32
      %dma_start3A_269 = tpu.memref_slice %arg2[%dma_start3A_254, %squeeze3A_249, %dma_start3A_268] : memref<1x1000000x64xf32, #tpu.memory_space<hbm>> -> memref<1x1x64xf32, #tpu.memory_space<hbm>>
      %dma_start3A_270 = tpu.memref_squeeze %dma_start3A_269 : memref<1x1x64xf32, #tpu.memory_space<hbm>> -> memref<1x64xf32, #tpu.memory_space<hbm>>
      tpu.enqueue_dma source(%dma_start3A_270 : memref<1x64xf32, #tpu.memory_space<hbm>>) target(%dma_start3A_267 : memref<1x64xf32, #tpu.memory_space<vmem>>) target_semaphore(%dma_start3A_264 : memref<!tpu.dma_semaphore, #tpu.memory_space<semaphore_mem>>)
      %slice3A_271 = vector.extract_strided_slice %get3A_157 {offsets = [5], sizes = [1], strides = [1]} : vector<16xi32> to vector<1xi32>
      %squeeze3A_272 = vector.extract %slice3A_271[0] : i32 from vector<1xi32>
      %mul3A_273 = arith.constant 8 : i32
      %mul3A_274 = arith.muli %add3A_151, %mul3A_273 : i32
      %add3A_275 = arith.constant 5 : i32
      %add3A_276 = arith.addi %mul3A_274, %add3A_275 : i32
      %dma_start3A_277 = arith.constant 0 : i32
      %dma_start3A_278 = arith.constant 1 : i32
      %dma_start3A_279 = arith.constant 1 : i32
      %dma_start3A_280 = arith.constant 0 : i32
      %dma_start3A_281 = tpu.memref_slice %arg6[%dma_start3A_278, %add3A_276, %dma_start3A_280] : memref<2x200x64xf32, #tpu.memory_space<vmem>> -> memref<1x1x64xf32, #tpu.memory_space<vmem>>
      %dma_start3A_282 = tpu.memref_squeeze %dma_start3A_281 : memref<1x1x64xf32, #tpu.memory_space<vmem>> -> memref<1x64xf32, #tpu.memory_space<vmem>>
      %dma_start3A_283 = arith.constant 0 : i32
      %dma_start3A_284 = tpu.memref_slice %arg2[%dma_start3A_277, %squeeze3A_272, %dma_start3A_283] : memref<1x1000000x64xf32, #tpu.memory_space<hbm>> -> memref<1x1x64xf32, #tpu.memory_space<hbm>>
      %dma_start3A_285 = tpu.memref_squeeze %dma_start3A_284 : memref<1x1x64xf32, #tpu.memory_space<hbm>> -> memref<1x64xf32, #tpu.memory_space<hbm>>
      %dma_start3A_286 = tpu.memref_slice %arg7[%dma_start3A_279] : memref<2x!tpu.dma_semaphore, #tpu.memory_space<semaphore_mem>> -> memref<1x!tpu.dma_semaphore, #tpu.memory_space<semaphore_mem>>
      %dma_start3A_287 = tpu.memref_squeeze %dma_start3A_286 : memref<1x!tpu.dma_semaphore, #tpu.memory_space<semaphore_mem>> -> memref<!tpu.dma_semaphore, #tpu.memory_space<semaphore_mem>>
      %dma_start3A_288 = arith.constant 0 : i32
      %dma_start3A_289 = tpu.memref_slice %arg6[%dma_start3A_278, %add3A_276, %dma_start3A_288] : memref<2x200x64xf32, #tpu.memory_space<vmem>> -> memref<1x1x64xf32, #tpu.memory_space<vmem>>
      %dma_start3A_290 = tpu.memref_squeeze %dma_start3A_289 : memref<1x1x64xf32, #tpu.memory_space<vmem>> -> memref<1x64xf32, #tpu.memory_space<vmem>>
      %dma_start3A_291 = arith.constant 0 : i32
      %dma_start3A_292 = tpu.memref_slice %arg2[%dma_start3A_277, %squeeze3A_272, %dma_start3A_291] : memref<1x1000000x64xf32, #tpu.memory_space<hbm>> -> memref<1x1x64xf32, #tpu.memory_space<hbm>>
      %dma_start3A_293 = tpu.memref_squeeze %dma_start3A_292 : memref<1x1x64xf32, #tpu.memory_space<hbm>> -> memref<1x64xf32, #tpu.memory_space<hbm>>
      tpu.enqueue_dma source(%dma_start3A_293 : memref<1x64xf32, #tpu.memory_space<hbm>>) target(%dma_start3A_290 : memref<1x64xf32, #tpu.memory_space<vmem>>) target_semaphore(%dma_start3A_287 : memref<!tpu.dma_semaphore, #tpu.memory_space<semaphore_mem>>)
      %slice3A_294 = vector.extract_strided_slice %get3A_157 {offsets = [6], sizes = [1], strides = [1]} : vector<16xi32> to vector<1xi32>
      %squeeze3A_295 = vector.extract %slice3A_294[0] : i32 from vector<1xi32>
      %mul3A_296 = arith.constant 8 : i32
      %mul3A_297 = arith.muli %add3A_151, %mul3A_296 : i32
      %add3A_298 = arith.constant 6 : i32
      %add3A_299 = arith.addi %mul3A_297, %add3A_298 : i32
      %dma_start3A_300 = arith.constant 0 : i32
      %dma_start3A_301 = arith.constant 1 : i32
      %dma_start3A_302 = arith.constant 1 : i32
      %dma_start3A_303 = arith.constant 0 : i32
      %dma_start3A_304 = tpu.memref_slice %arg6[%dma_start3A_301, %add3A_299, %dma_start3A_303] : memref<2x200x64xf32, #tpu.memory_space<vmem>> -> memref<1x1x64xf32, #tpu.memory_space<vmem>>
      %dma_start3A_305 = tpu.memref_squeeze %dma_start3A_304 : memref<1x1x64xf32, #tpu.memory_space<vmem>> -> memref<1x64xf32, #tpu.memory_space<vmem>>
      %dma_start3A_306 = arith.constant 0 : i32
      %dma_start3A_307 = tpu.memref_slice %arg2[%dma_start3A_300, %squeeze3A_295, %dma_start3A_306] : memref<1x1000000x64xf32, #tpu.memory_space<hbm>> -> memref<1x1x64xf32, #tpu.memory_space<hbm>>
      %dma_start3A_308 = tpu.memref_squeeze %dma_start3A_307 : memref<1x1x64xf32, #tpu.memory_space<hbm>> -> memref<1x64xf32, #tpu.memory_space<hbm>>
      %dma_start3A_309 = tpu.memref_slice %arg7[%dma_start3A_302] : memref<2x!tpu.dma_semaphore, #tpu.memory_space<semaphore_mem>> -> memref<1x!tpu.dma_semaphore, #tpu.memory_space<semaphore_mem>>
      %dma_start3A_310 = tpu.memref_squeeze %dma_start3A_309 : memref<1x!tpu.dma_semaphore, #tpu.memory_space<semaphore_mem>> -> memref<!tpu.dma_semaphore, #tpu.memory_space<semaphore_mem>>
      %dma_start3A_311 = arith.constant 0 : i32
      %dma_start3A_312 = tpu.memref_slice %arg6[%dma_start3A_301, %add3A_299, %dma_start3A_311] : memref<2x200x64xf32, #tpu.memory_space<vmem>> -> memref<1x1x64xf32, #tpu.memory_space<vmem>>
      %dma_start3A_313 = tpu.memref_squeeze %dma_start3A_312 : memref<1x1x64xf32, #tpu.memory_space<vmem>> -> memref<1x64xf32, #tpu.memory_space<vmem>>
      %dma_start3A_314 = arith.constant 0 : i32
      %dma_start3A_315 = tpu.memref_slice %arg2[%dma_start3A_300, %squeeze3A_295, %dma_start3A_314] : memref<1x1000000x64xf32, #tpu.memory_space<hbm>> -> memref<1x1x64xf32, #tpu.memory_space<hbm>>
      %dma_start3A_316 = tpu.memref_squeeze %dma_start3A_315 : memref<1x1x64xf32, #tpu.memory_space<hbm>> -> memref<1x64xf32, #tpu.memory_space<hbm>>
      tpu.enqueue_dma source(%dma_start3A_316 : memref<1x64xf32, #tpu.memory_space<hbm>>) target(%dma_start3A_313 : memref<1x64xf32, #tpu.memory_space<vmem>>) target_semaphore(%dma_start3A_310 : memref<!tpu.dma_semaphore, #tpu.memory_space<semaphore_mem>>)
      %slice3A_317 = vector.extract_strided_slice %get3A_157 {offsets = [7], sizes = [1], strides = [1]} : vector<16xi32> to vector<1xi32>
      %squeeze3A_318 = vector.extract %slice3A_317[0] : i32 from vector<1xi32>
      %mul3A_319 = arith.constant 8 : i32
      %mul3A_320 = arith.muli %add3A_151, %mul3A_319 : i32
      %add3A_321 = arith.constant 7 : i32
      %add3A_322 = arith.addi %mul3A_320, %add3A_321 : i32
      %dma_start3A_323 = arith.constant 0 : i32
      %dma_start3A_324 = arith.constant 1 : i32
      %dma_start3A_325 = arith.constant 1 : i32
      %dma_start3A_326 = arith.constant 0 : i32
      %dma_start3A_327 = tpu.memref_slice %arg6[%dma_start3A_324, %add3A_322, %dma_start3A_326] : memref<2x200x64xf32, #tpu.memory_space<vmem>> -> memref<1x1x64xf32, #tpu.memory_space<vmem>>
      %dma_start3A_328 = tpu.memref_squeeze %dma_start3A_327 : memref<1x1x64xf32, #tpu.memory_space<vmem>> -> memref<1x64xf32, #tpu.memory_space<vmem>>
      %dma_start3A_329 = arith.constant 0 : i32
      %dma_start3A_330 = tpu.memref_slice %arg2[%dma_start3A_323, %squeeze3A_318, %dma_start3A_329] : memref<1x1000000x64xf32, #tpu.memory_space<hbm>> -> memref<1x1x64xf32, #tpu.memory_space<hbm>>
      %dma_start3A_331 = tpu.memref_squeeze %dma_start3A_330 : memref<1x1x64xf32, #tpu.memory_space<hbm>> -> memref<1x64xf32, #tpu.memory_space<hbm>>
      %dma_start3A_332 = tpu.memref_slice %arg7[%dma_start3A_325] : memref<2x!tpu.dma_semaphore, #tpu.memory_space<semaphore_mem>> -> memref<1x!tpu.dma_semaphore, #tpu.memory_space<semaphore_mem>>
      %dma_start3A_333 = tpu.memref_squeeze %dma_start3A_332 : memref<1x!tpu.dma_semaphore, #tpu.memory_space<semaphore_mem>> -> memref<!tpu.dma_semaphore, #tpu.memory_space<semaphore_mem>>
      %dma_start3A_334 = arith.constant 0 : i32
      %dma_start3A_335 = tpu.memref_slice %arg6[%dma_start3A_324, %add3A_322, %dma_start3A_334] : memref<2x200x64xf32, #tpu.memory_space<vmem>> -> memref<1x1x64xf32, #tpu.memory_space<vmem>>
      %dma_start3A_336 = tpu.memref_squeeze %dma_start3A_335 : memref<1x1x64xf32, #tpu.memory_space<vmem>> -> memref<1x64xf32, #tpu.memory_space<vmem>>
      %dma_start3A_337 = arith.constant 0 : i32
      %dma_start3A_338 = tpu.memref_slice %arg2[%dma_start3A_323, %squeeze3A_318, %dma_start3A_337] : memref<1x1000000x64xf32, #tpu.memory_space<hbm>> -> memref<1x1x64xf32, #tpu.memory_space<hbm>>
      %dma_start3A_339 = tpu.memref_squeeze %dma_start3A_338 : memref<1x1x64xf32, #tpu.memory_space<hbm>> -> memref<1x64xf32, #tpu.memory_space<hbm>>
      tpu.enqueue_dma source(%dma_start3A_339 : memref<1x64xf32, #tpu.memory_space<hbm>>) target(%dma_start3A_336 : memref<1x64xf32, #tpu.memory_space<vmem>>) target_semaphore(%dma_start3A_333 : memref<!tpu.dma_semaphore, #tpu.memory_space<semaphore_mem>>)
    }
    %scan3A_13 = arith.constant 25 : i32
    %scan3A_14 = arith.constant 0 : i32
    %scan3A_15 = arith.constant 63 : i32
    %scan3A_16 = arith.addi %scan3A_14, %scan3A_15 : i32
    %scan3A_17 = arith.constant 1 : i32
    scf.for %scan3A_147 = %scan3A_14 to %scan3A_16 step %scan3A_17  : i32 {
      %mul3A_148 = arith.constant 2 : i32
      %mul3A_149 = arith.muli %scan3A_147, %mul3A_148 : i32
      %add3A_150 = arith.constant 0 : i32
      %add3A_151 = arith.addi %add3A_150, %mul3A_149 : i32
      %dma_wait3A_152 = arith.constant 0 : i32
      %dma_wait3A_153 = arith.constant 0 : i32
      %dma_wait3A_154 = arith.constant 0 : i32
      %dma_wait3A_155 = arith.constant 0 : i32
      %dma_wait3A_156 = arith.constant 0 : i32
      %dma_wait3A_157 = tpu.memref_slice %arg6[%dma_wait3A_153, %dma_wait3A_155, %dma_wait3A_156] : memref<2x200x64xf32, #tpu.memory_space<vmem>> -> memref<1x200x64xf32, #tpu.memory_space<vmem>>
      %dma_wait3A_158 = tpu.memref_squeeze %dma_wait3A_157 : memref<1x200x64xf32, #tpu.memory_space<vmem>> -> memref<200x64xf32, #tpu.memory_space<vmem>>
      %dma_wait3A_159 = arith.constant 0 : i32
      %dma_wait3A_160 = arith.constant 0 : i32
      %dma_wait3A_161 = tpu.memref_slice %arg2[%dma_wait3A_152, %dma_wait3A_159, %dma_wait3A_160] : memref<1x1000000x64xf32, #tpu.memory_space<hbm>> -> memref<1x200x64xf32, #tpu.memory_space<hbm>>
      %dma_wait3A_162 = tpu.memref_squeeze %dma_wait3A_161 : memref<1x200x64xf32, #tpu.memory_space<hbm>> -> memref<200x64xf32, #tpu.memory_space<hbm>>
      %dma_wait3A_163 = tpu.memref_slice %arg7[%dma_wait3A_154] : memref<2x!tpu.dma_semaphore, #tpu.memory_space<semaphore_mem>> -> memref<1x!tpu.dma_semaphore, #tpu.memory_space<semaphore_mem>>
      %dma_wait3A_164 = tpu.memref_squeeze %dma_wait3A_163 : memref<1x!tpu.dma_semaphore, #tpu.memory_space<semaphore_mem>> -> memref<!tpu.dma_semaphore, #tpu.memory_space<semaphore_mem>>
      %dma_wait3A_165 = arith.constant 0 : i32
      %dma_wait3A_166 = arith.constant 0 : i32
      %dma_wait3A_167 = tpu.memref_slice %arg6[%dma_wait3A_153, %dma_wait3A_165, %dma_wait3A_166] : memref<2x200x64xf32, #tpu.memory_space<vmem>> -> memref<1x200x64xf32, #tpu.memory_space<vmem>>
      %dma_wait3A_168 = tpu.memref_squeeze %dma_wait3A_167 : memref<1x200x64xf32, #tpu.memory_space<vmem>> -> memref<200x64xf32, #tpu.memory_space<vmem>>
      %dma_wait3A_169 = arith.constant 0 : i32
      %dma_wait3A_170 = arith.constant 0 : i32
      %dma_wait3A_171 = tpu.memref_slice %arg2[%dma_wait3A_152, %dma_wait3A_169, %dma_wait3A_170] : memref<1x1000000x64xf32, #tpu.memory_space<hbm>> -> memref<1x200x64xf32, #tpu.memory_space<hbm>>
      %dma_wait3A_172 = tpu.memref_squeeze %dma_wait3A_171 : memref<1x200x64xf32, #tpu.memory_space<hbm>> -> memref<200x64xf32, #tpu.memory_space<hbm>>
      tpu.wait_dma2 semaphore(%dma_wait3A_164 : memref<!tpu.dma_semaphore, #tpu.memory_space<semaphore_mem>>) src(%dma_wait3A_172 : memref<200x64xf32, #tpu.memory_space<hbm>>) dst(%dma_wait3A_168 : memref<200x64xf32, #tpu.memory_space<vmem>>)
      %add3A_173 = arith.addi %mul3A_2, %add3A_151 : i32
      %dma_start3A_174 = arith.constant 0 : i32
      %dma_start3A_175 = arith.constant 0 : i32
      %dma_start3A_176 = arith.constant 0 : i32
      %dma_start3A_177 = arith.constant 0 : i32
      %dma_start3A_178 = tpu.memref_slice %arg6[%dma_start3A_174, %dma_start3A_176, %dma_start3A_177] : memref<2x200x64xf32, #tpu.memory_space<vmem>> -> memref<1x200x64xf32, #tpu.memory_space<vmem>>
      %dma_start3A_179 = tpu.memref_squeeze %dma_start3A_178 : memref<1x200x64xf32, #tpu.memory_space<vmem>> -> memref<200x64xf32, #tpu.memory_space<vmem>>
      %dma_start3A_180 = arith.constant 0 : i32
      %dma_start3A_181 = arith.constant 0 : i32
      %dma_start3A_182 = tpu.memref_slice %arg4[%add3A_173, %dma_start3A_180, %dma_start3A_181] : memref<4096x200x64xf32, #tpu.memory_space<hbm>> -> memref<1x200x64xf32, #tpu.memory_space<hbm>>
      %dma_start3A_183 = tpu.memref_squeeze %dma_start3A_182 : memref<1x200x64xf32, #tpu.memory_space<hbm>> -> memref<200x64xf32, #tpu.memory_space<hbm>>
      %dma_start3A_184 = tpu.memref_slice %arg8[%dma_start3A_175] : memref<2x!tpu.dma_semaphore, #tpu.memory_space<semaphore_mem>> -> memref<1x!tpu.dma_semaphore, #tpu.memory_space<semaphore_mem>>
      %dma_start3A_185 = tpu.memref_squeeze %dma_start3A_184 : memref<1x!tpu.dma_semaphore, #tpu.memory_space<semaphore_mem>> -> memref<!tpu.dma_semaphore, #tpu.memory_space<semaphore_mem>>
      %dma_start3A_186 = arith.constant 0 : i32
      %dma_start3A_187 = arith.constant 0 : i32
      %dma_start3A_188 = tpu.memref_slice %arg4[%add3A_173, %dma_start3A_186, %dma_start3A_187] : memref<4096x200x64xf32, #tpu.memory_space<hbm>> -> memref<1x200x64xf32, #tpu.memory_space<hbm>>
      %dma_start3A_189 = tpu.memref_squeeze %dma_start3A_188 : memref<1x200x64xf32, #tpu.memory_space<hbm>> -> memref<200x64xf32, #tpu.memory_space<hbm>>
      %dma_start3A_190 = arith.constant 0 : i32
      %dma_start3A_191 = arith.constant 0 : i32
      %dma_start3A_192 = tpu.memref_slice %arg6[%dma_start3A_174, %dma_start3A_190, %dma_start3A_191] : memref<2x200x64xf32, #tpu.memory_space<vmem>> -> memref<1x200x64xf32, #tpu.memory_space<vmem>>
      %dma_start3A_193 = tpu.memref_squeeze %dma_start3A_192 : memref<1x200x64xf32, #tpu.memory_space<vmem>> -> memref<200x64xf32, #tpu.memory_space<vmem>>
      tpu.enqueue_dma source(%dma_start3A_193 : memref<200x64xf32, #tpu.memory_space<vmem>>) target(%dma_start3A_189 : memref<200x64xf32, #tpu.memory_space<hbm>>) target_semaphore(%dma_start3A_185 : memref<!tpu.dma_semaphore, #tpu.memory_space<semaphore_mem>>)
      %dma_wait3A_194 = arith.constant 0 : i32
      %dma_wait3A_195 = arith.constant 1 : i32
      %dma_wait3A_196 = arith.constant 1 : i32
      %dma_wait3A_197 = arith.constant 0 : i32
      %dma_wait3A_198 = arith.constant 0 : i32
      %dma_wait3A_199 = tpu.memref_slice %arg6[%dma_wait3A_195, %dma_wait3A_197, %dma_wait3A_198] : memref<2x200x64xf32, #tpu.memory_space<vmem>> -> memref<1x200x64xf32, #tpu.memory_space<vmem>>
      %dma_wait3A_200 = tpu.memref_squeeze %dma_wait3A_199 : memref<1x200x64xf32, #tpu.memory_space<vmem>> -> memref<200x64xf32, #tpu.memory_space<vmem>>
      %dma_wait3A_201 = arith.constant 0 : i32
      %dma_wait3A_202 = arith.constant 0 : i32
      %dma_wait3A_203 = tpu.memref_slice %arg2[%dma_wait3A_194, %dma_wait3A_201, %dma_wait3A_202] : memref<1x1000000x64xf32, #tpu.memory_space<hbm>> -> memref<1x200x64xf32, #tpu.memory_space<hbm>>
      %dma_wait3A_204 = tpu.memref_squeeze %dma_wait3A_203 : memref<1x200x64xf32, #tpu.memory_space<hbm>> -> memref<200x64xf32, #tpu.memory_space<hbm>>
      %dma_wait3A_205 = tpu.memref_slice %arg7[%dma_wait3A_196] : memref<2x!tpu.dma_semaphore, #tpu.memory_space<semaphore_mem>> -> memref<1x!tpu.dma_semaphore, #tpu.memory_space<semaphore_mem>>
      %dma_wait3A_206 = tpu.memref_squeeze %dma_wait3A_205 : memref<1x!tpu.dma_semaphore, #tpu.memory_space<semaphore_mem>> -> memref<!tpu.dma_semaphore, #tpu.memory_space<semaphore_mem>>
      %dma_wait3A_207 = arith.constant 0 : i32
      %dma_wait3A_208 = arith.constant 0 : i32
      %dma_wait3A_209 = tpu.memref_slice %arg6[%dma_wait3A_195, %dma_wait3A_207, %dma_wait3A_208] : memref<2x200x64xf32, #tpu.memory_space<vmem>> -> memref<1x200x64xf32, #tpu.memory_space<vmem>>
      %dma_wait3A_210 = tpu.memref_squeeze %dma_wait3A_209 : memref<1x200x64xf32, #tpu.memory_space<vmem>> -> memref<200x64xf32, #tpu.memory_space<vmem>>
      %dma_wait3A_211 = arith.constant 0 : i32
      %dma_wait3A_212 = arith.constant 0 : i32
      %dma_wait3A_213 = tpu.memref_slice %arg2[%dma_wait3A_194, %dma_wait3A_211, %dma_wait3A_212] : memref<1x1000000x64xf32, #tpu.memory_space<hbm>> -> memref<1x200x64xf32, #tpu.memory_space<hbm>>
      %dma_wait3A_214 = tpu.memref_squeeze %dma_wait3A_213 : memref<1x200x64xf32, #tpu.memory_space<hbm>> -> memref<200x64xf32, #tpu.memory_space<hbm>>
      tpu.wait_dma2 semaphore(%dma_wait3A_206 : memref<!tpu.dma_semaphore, #tpu.memory_space<semaphore_mem>>) src(%dma_wait3A_214 : memref<200x64xf32, #tpu.memory_space<hbm>>) dst(%dma_wait3A_210 : memref<200x64xf32, #tpu.memory_space<vmem>>)
      %add3A_215 = arith.constant 1 : i32
      %add3A_216 = arith.addi %add3A_151, %add3A_215 : i32
      %add3A_217 = arith.addi %mul3A_2, %add3A_216 : i32
      %dma_start3A_218 = arith.constant 1 : i32
      %dma_start3A_219 = arith.constant 1 : i32
      %dma_start3A_220 = arith.constant 0 : i32
      %dma_start3A_221 = arith.constant 0 : i32
      %dma_start3A_222 = tpu.memref_slice %arg6[%dma_start3A_218, %dma_start3A_220, %dma_start3A_221] : memref<2x200x64xf32, #tpu.memory_space<vmem>> -> memref<1x200x64xf32, #tpu.memory_space<vmem>>
      %dma_start3A_223 = tpu.memref_squeeze %dma_start3A_222 : memref<1x200x64xf32, #tpu.memory_space<vmem>> -> memref<200x64xf32, #tpu.memory_space<vmem>>
      %dma_start3A_224 = arith.constant 0 : i32
      %dma_start3A_225 = arith.constant 0 : i32
      %dma_start3A_226 = tpu.memref_slice %arg4[%add3A_217, %dma_start3A_224, %dma_start3A_225] : memref<4096x200x64xf32, #tpu.memory_space<hbm>> -> memref<1x200x64xf32, #tpu.memory_space<hbm>>
      %dma_start3A_227 = tpu.memref_squeeze %dma_start3A_226 : memref<1x200x64xf32, #tpu.memory_space<hbm>> -> memref<200x64xf32, #tpu.memory_space<hbm>>
      %dma_start3A_228 = tpu.memref_slice %arg8[%dma_start3A_219] : memref<2x!tpu.dma_semaphore, #tpu.memory_space<semaphore_mem>> -> memref<1x!tpu.dma_semaphore, #tpu.memory_space<semaphore_mem>>
      %dma_start3A_229 = tpu.memref_squeeze %dma_start3A_228 : memref<1x!tpu.dma_semaphore, #tpu.memory_space<semaphore_mem>> -> memref<!tpu.dma_semaphore, #tpu.memory_space<semaphore_mem>>
      %dma_start3A_230 = arith.constant 0 : i32
      %dma_start3A_231 = arith.constant 0 : i32
      %dma_start3A_232 = tpu.memref_slice %arg4[%add3A_217, %dma_start3A_230, %dma_start3A_231] : memref<4096x200x64xf32, #tpu.memory_space<hbm>> -> memref<1x200x64xf32, #tpu.memory_space<hbm>>
      %dma_start3A_233 = tpu.memref_squeeze %dma_start3A_232 : memref<1x200x64xf32, #tpu.memory_space<hbm>> -> memref<200x64xf32, #tpu.memory_space<hbm>>
      %dma_start3A_234 = arith.constant 0 : i32
      %dma_start3A_235 = arith.constant 0 : i32
      %dma_start3A_236 = tpu.memref_slice %arg6[%dma_start3A_218, %dma_start3A_234, %dma_start3A_235] : memref<2x200x64xf32, #tpu.memory_space<vmem>> -> memref<1x200x64xf32, #tpu.memory_space<vmem>>
      %dma_start3A_237 = tpu.memref_squeeze %dma_start3A_236 : memref<1x200x64xf32, #tpu.memory_space<vmem>> -> memref<200x64xf32, #tpu.memory_space<vmem>>
      tpu.enqueue_dma source(%dma_start3A_237 : memref<200x64xf32, #tpu.memory_space<vmem>>) target(%dma_start3A_233 : memref<200x64xf32, #tpu.memory_space<hbm>>) target_semaphore(%dma_start3A_229 : memref<!tpu.dma_semaphore, #tpu.memory_space<semaphore_mem>>)
      %add3A_238 = arith.addi %mul3A_2, %add3A_151 : i32
      %dma_wait3A_239 = arith.constant 0 : i32
      %dma_wait3A_240 = arith.constant 0 : i32
      %dma_wait3A_241 = arith.constant 0 : i32
      %dma_wait3A_242 = arith.constant 0 : i32
      %dma_wait3A_243 = tpu.memref_slice %arg6[%dma_wait3A_239, %dma_wait3A_241, %dma_wait3A_242] : memref<2x200x64xf32, #tpu.memory_space<vmem>> -> memref<1x200x64xf32, #tpu.memory_space<vmem>>
      %dma_wait3A_244 = tpu.memref_squeeze %dma_wait3A_243 : memref<1x200x64xf32, #tpu.memory_space<vmem>> -> memref<200x64xf32, #tpu.memory_space<vmem>>
      %dma_wait3A_245 = arith.constant 0 : i32
      %dma_wait3A_246 = arith.constant 0 : i32
      %dma_wait3A_247 = tpu.memref_slice %arg4[%add3A_238, %dma_wait3A_245, %dma_wait3A_246] : memref<4096x200x64xf32, #tpu.memory_space<hbm>> -> memref<1x200x64xf32, #tpu.memory_space<hbm>>
      %dma_wait3A_248 = tpu.memref_squeeze %dma_wait3A_247 : memref<1x200x64xf32, #tpu.memory_space<hbm>> -> memref<200x64xf32, #tpu.memory_space<hbm>>
      %dma_wait3A_249 = tpu.memref_slice %arg8[%dma_wait3A_240] : memref<2x!tpu.dma_semaphore, #tpu.memory_space<semaphore_mem>> -> memref<1x!tpu.dma_semaphore, #tpu.memory_space<semaphore_mem>>
      %dma_wait3A_250 = tpu.memref_squeeze %dma_wait3A_249 : memref<1x!tpu.dma_semaphore, #tpu.memory_space<semaphore_mem>> -> memref<!tpu.dma_semaphore, #tpu.memory_space<semaphore_mem>>
      %dma_wait3A_251 = arith.constant 0 : i32
      %dma_wait3A_252 = arith.constant 0 : i32
      %dma_wait3A_253 = tpu.memref_slice %arg4[%add3A_238, %dma_wait3A_251, %dma_wait3A_252] : memref<4096x200x64xf32, #tpu.memory_space<hbm>> -> memref<1x200x64xf32, #tpu.memory_space<hbm>>
      %dma_wait3A_254 = tpu.memref_squeeze %dma_wait3A_253 : memref<1x200x64xf32, #tpu.memory_space<hbm>> -> memref<200x64xf32, #tpu.memory_space<hbm>>
      %dma_wait3A_255 = arith.constant 0 : i32
      %dma_wait3A_256 = arith.constant 0 : i32
      %dma_wait3A_257 = tpu.memref_slice %arg6[%dma_wait3A_239, %dma_wait3A_255, %dma_wait3A_256] : memref<2x200x64xf32, #tpu.memory_space<vmem>> -> memref<1x200x64xf32, #tpu.memory_space<vmem>>
      %dma_wait3A_258 = tpu.memref_squeeze %dma_wait3A_257 : memref<1x200x64xf32, #tpu.memory_space<vmem>> -> memref<200x64xf32, #tpu.memory_space<vmem>>
      tpu.wait_dma2 semaphore(%dma_wait3A_250 : memref<!tpu.dma_semaphore, #tpu.memory_space<semaphore_mem>>) src(%dma_wait3A_258 : memref<200x64xf32, #tpu.memory_space<vmem>>) dst(%dma_wait3A_254 : memref<200x64xf32, #tpu.memory_space<hbm>>)
      %add3A_259 = arith.constant 2 : i32
      %add3A_260 = arith.addi %add3A_151, %add3A_259 : i32
      %mul3A_261 = arith.constant 200 : i32
      %mul3A_262 = arith.muli %add3A_260, %mul3A_261 : i32
      %scan3A_263 = arith.constant 0 : i32
      %scan3A_264 = arith.constant 25 : i32
      %scan3A_265 = arith.addi %scan3A_263, %scan3A_264 : i32
      %scan3A_266 = arith.constant 1 : i32
      scf.for %scan3A_300 = %scan3A_263 to %scan3A_265 step %scan3A_266  : i32 {
        %mul3A_301 = arith.constant 1 : i32
        %mul3A_302 = arith.muli %scan3A_300, %mul3A_301 : i32
        %add3A_303 = arith.constant 0 : i32
        %add3A_304 = arith.addi %add3A_303, %mul3A_302 : i32
        %mul3A_305 = arith.constant 8 : i32
        %mul3A_306 = arith.muli %add3A_304, %mul3A_305 : i32
        %add3A_307 = arith.addi %mul3A_262, %mul3A_306 : i32
        %get3A = arith.index_cast %add3A_307 : i32 to index
        %get3A_308 = tpu.vector_load %arg5[%get3A] {strides = array<i32>} : memref<25616xi32, #tpu.memory_space<vmem>>, vector<16xi32>,
        %get3A_309 = vector.shape_cast %get3A_308 : vector<16xi32> to vector<16xi32>
        %slice3A = vector.extract_strided_slice %get3A_309 {offsets = [0], sizes = [1], strides = [1]} : vector<16xi32> to vector<1xi32>
        %squeeze3A = vector.extract %slice3A[0] : i32 from vector<1xi32>
        %mul3A_310 = arith.constant 8 : i32
        %mul3A_311 = arith.muli %add3A_304, %mul3A_310 : i32
        %add3A_312 = arith.constant 0 : i32
        %add3A_313 = arith.addi %mul3A_311, %add3A_312 : i32
        %dma_start3A_314 = arith.constant 0 : i32
        %dma_start3A_315 = arith.constant 0 : i32
        %dma_start3A_316 = arith.constant 0 : i32
        %dma_start3A_317 = arith.constant 0 : i32
        %dma_start3A_318 = tpu.memref_slice %arg6[%dma_start3A_315, %add3A_313, %dma_start3A_317] : memref<2x200x64xf32, #tpu.memory_space<vmem>> -> memref<1x1x64xf32, #tpu.memory_space<vmem>>
        %dma_start3A_319 = tpu.memref_squeeze %dma_start3A_318 : memref<1x1x64xf32, #tpu.memory_space<vmem>> -> memref<1x64xf32, #tpu.memory_space<vmem>>
        %dma_start3A_320 = arith.constant 0 : i32
        %dma_start3A_321 = tpu.memref_slice %arg2[%dma_start3A_314, %squeeze3A, %dma_start3A_320] : memref<1x1000000x64xf32, #tpu.memory_space<hbm>> -> memref<1x1x64xf32, #tpu.memory_space<hbm>>
        %dma_start3A_322 = tpu.memref_squeeze %dma_start3A_321 : memref<1x1x64xf32, #tpu.memory_space<hbm>> -> memref<1x64xf32, #tpu.memory_space<hbm>>
        %dma_start3A_323 = tpu.memref_slice %arg7[%dma_start3A_316] : memref<2x!tpu.dma_semaphore, #tpu.memory_space<semaphore_mem>> -> memref<1x!tpu.dma_semaphore, #tpu.memory_space<semaphore_mem>>
        %dma_start3A_324 = tpu.memref_squeeze %dma_start3A_323 : memref<1x!tpu.dma_semaphore, #tpu.memory_space<semaphore_mem>> -> memref<!tpu.dma_semaphore, #tpu.memory_space<semaphore_mem>>
        %dma_start3A_325 = arith.constant 0 : i32
        %dma_start3A_326 = tpu.memref_slice %arg6[%dma_start3A_315, %add3A_313, %dma_start3A_325] : memref<2x200x64xf32, #tpu.memory_space<vmem>> -> memref<1x1x64xf32, #tpu.memory_space<vmem>>
        %dma_start3A_327 = tpu.memref_squeeze %dma_start3A_326 : memref<1x1x64xf32, #tpu.memory_space<vmem>> -> memref<1x64xf32, #tpu.memory_space<vmem>>
        %dma_start3A_328 = arith.constant 0 : i32
        %dma_start3A_329 = tpu.memref_slice %arg2[%dma_start3A_314, %squeeze3A, %dma_start3A_328] : memref<1x1000000x64xf32, #tpu.memory_space<hbm>> -> memref<1x1x64xf32, #tpu.memory_space<hbm>>
        %dma_start3A_330 = tpu.memref_squeeze %dma_start3A_329 : memref<1x1x64xf32, #tpu.memory_space<hbm>> -> memref<1x64xf32, #tpu.memory_space<hbm>>
        tpu.enqueue_dma source(%dma_start3A_330 : memref<1x64xf32, #tpu.memory_space<hbm>>) target(%dma_start3A_327 : memref<1x64xf32, #tpu.memory_space<vmem>>) target_semaphore(%dma_start3A_324 : memref<!tpu.dma_semaphore, #tpu.memory_space<semaphore_mem>>)
        %slice3A_331 = vector.extract_strided_slice %get3A_309 {offsets = [1], sizes = [1], strides = [1]} : vector<16xi32> to vector<1xi32>
        %squeeze3A_332 = vector.extract %slice3A_331[0] : i32 from vector<1xi32>
        %mul3A_333 = arith.constant 8 : i32
        %mul3A_334 = arith.muli %add3A_304, %mul3A_333 : i32
        %add3A_335 = arith.constant 1 : i32
        %add3A_336 = arith.addi %mul3A_334, %add3A_335 : i32
        %dma_start3A_337 = arith.constant 0 : i32
        %dma_start3A_338 = arith.constant 0 : i32
        %dma_start3A_339 = arith.constant 0 : i32
        %dma_start3A_340 = arith.constant 0 : i32
        %dma_start3A_341 = tpu.memref_slice %arg6[%dma_start3A_338, %add3A_336, %dma_start3A_340] : memref<2x200x64xf32, #tpu.memory_space<vmem>> -> memref<1x1x64xf32, #tpu.memory_space<vmem>>
        %dma_start3A_342 = tpu.memref_squeeze %dma_start3A_341 : memref<1x1x64xf32, #tpu.memory_space<vmem>> -> memref<1x64xf32, #tpu.memory_space<vmem>>
        %dma_start3A_343 = arith.constant 0 : i32
        %dma_start3A_344 = tpu.memref_slice %arg2[%dma_start3A_337, %squeeze3A_332, %dma_start3A_343] : memref<1x1000000x64xf32, #tpu.memory_space<hbm>> -> memref<1x1x64xf32, #tpu.memory_space<hbm>>
        %dma_start3A_345 = tpu.memref_squeeze %dma_start3A_344 : memref<1x1x64xf32, #tpu.memory_space<hbm>> -> memref<1x64xf32, #tpu.memory_space<hbm>>
        %dma_start3A_346 = tpu.memref_slice %arg7[%dma_start3A_339] : memref<2x!tpu.dma_semaphore, #tpu.memory_space<semaphore_mem>> -> memref<1x!tpu.dma_semaphore, #tpu.memory_space<semaphore_mem>>
        %dma_start3A_347 = tpu.memref_squeeze %dma_start3A_346 : memref<1x!tpu.dma_semaphore, #tpu.memory_space<semaphore_mem>> -> memref<!tpu.dma_semaphore, #tpu.memory_space<semaphore_mem>>
        %dma_start3A_348 = arith.constant 0 : i32
        %dma_start3A_349 = tpu.memref_slice %arg6[%dma_start3A_338, %add3A_336, %dma_start3A_348] : memref<2x200x64xf32, #tpu.memory_space<vmem>> -> memref<1x1x64xf32, #tpu.memory_space<vmem>>
        %dma_start3A_350 = tpu.memref_squeeze %dma_start3A_349 : memref<1x1x64xf32, #tpu.memory_space<vmem>> -> memref<1x64xf32, #tpu.memory_space<vmem>>
        %dma_start3A_351 = arith.constant 0 : i32
        %dma_start3A_352 = tpu.memref_slice %arg2[%dma_start3A_337, %squeeze3A_332, %dma_start3A_351] : memref<1x1000000x64xf32, #tpu.memory_space<hbm>> -> memref<1x1x64xf32, #tpu.memory_space<hbm>>
        %dma_start3A_353 = tpu.memref_squeeze %dma_start3A_352 : memref<1x1x64xf32, #tpu.memory_space<hbm>> -> memref<1x64xf32, #tpu.memory_space<hbm>>
        tpu.enqueue_dma source(%dma_start3A_353 : memref<1x64xf32, #tpu.memory_space<hbm>>) target(%dma_start3A_350 : memref<1x64xf32, #tpu.memory_space<vmem>>) target_semaphore(%dma_start3A_347 : memref<!tpu.dma_semaphore, #tpu.memory_space<semaphore_mem>>)
        %slice3A_354 = vector.extract_strided_slice %get3A_309 {offsets = [2], sizes = [1], strides = [1]} : vector<16xi32> to vector<1xi32>
        %squeeze3A_355 = vector.extract %slice3A_354[0] : i32 from vector<1xi32>
        %mul3A_356 = arith.constant 8 : i32
        %mul3A_357 = arith.muli %add3A_304, %mul3A_356 : i32
        %add3A_358 = arith.constant 2 : i32
        %add3A_359 = arith.addi %mul3A_357, %add3A_358 : i32
        %dma_start3A_360 = arith.constant 0 : i32
        %dma_start3A_361 = arith.constant 0 : i32
        %dma_start3A_362 = arith.constant 0 : i32
        %dma_start3A_363 = arith.constant 0 : i32
        %dma_start3A_364 = tpu.memref_slice %arg6[%dma_start3A_361, %add3A_359, %dma_start3A_363] : memref<2x200x64xf32, #tpu.memory_space<vmem>> -> memref<1x1x64xf32, #tpu.memory_space<vmem>>
        %dma_start3A_365 = tpu.memref_squeeze %dma_start3A_364 : memref<1x1x64xf32, #tpu.memory_space<vmem>> -> memref<1x64xf32, #tpu.memory_space<vmem>>
        %dma_start3A_366 = arith.constant 0 : i32
        %dma_start3A_367 = tpu.memref_slice %arg2[%dma_start3A_360, %squeeze3A_355, %dma_start3A_366] : memref<1x1000000x64xf32, #tpu.memory_space<hbm>> -> memref<1x1x64xf32, #tpu.memory_space<hbm>>
        %dma_start3A_368 = tpu.memref_squeeze %dma_start3A_367 : memref<1x1x64xf32, #tpu.memory_space<hbm>> -> memref<1x64xf32, #tpu.memory_space<hbm>>
        %dma_start3A_369 = tpu.memref_slice %arg7[%dma_start3A_362] : memref<2x!tpu.dma_semaphore, #tpu.memory_space<semaphore_mem>> -> memref<1x!tpu.dma_semaphore, #tpu.memory_space<semaphore_mem>>
        %dma_start3A_370 = tpu.memref_squeeze %dma_start3A_369 : memref<1x!tpu.dma_semaphore, #tpu.memory_space<semaphore_mem>> -> memref<!tpu.dma_semaphore, #tpu.memory_space<semaphore_mem>>
        %dma_start3A_371 = arith.constant 0 : i32
        %dma_start3A_372 = tpu.memref_slice %arg6[%dma_start3A_361, %add3A_359, %dma_start3A_371] : memref<2x200x64xf32, #tpu.memory_space<vmem>> -> memref<1x1x64xf32, #tpu.memory_space<vmem>>
        %dma_start3A_373 = tpu.memref_squeeze %dma_start3A_372 : memref<1x1x64xf32, #tpu.memory_space<vmem>> -> memref<1x64xf32, #tpu.memory_space<vmem>>
        %dma_start3A_374 = arith.constant 0 : i32
        %dma_start3A_375 = tpu.memref_slice %arg2[%dma_start3A_360, %squeeze3A_355, %dma_start3A_374] : memref<1x1000000x64xf32, #tpu.memory_space<hbm>> -> memref<1x1x64xf32, #tpu.memory_space<hbm>>
        %dma_start3A_376 = tpu.memref_squeeze %dma_start3A_375 : memref<1x1x64xf32, #tpu.memory_space<hbm>> -> memref<1x64xf32, #tpu.memory_space<hbm>>
        tpu.enqueue_dma source(%dma_start3A_376 : memref<1x64xf32, #tpu.memory_space<hbm>>) target(%dma_start3A_373 : memref<1x64xf32, #tpu.memory_space<vmem>>) target_semaphore(%dma_start3A_370 : memref<!tpu.dma_semaphore, #tpu.memory_space<semaphore_mem>>)
        %slice3A_377 = vector.extract_strided_slice %get3A_309 {offsets = [3], sizes = [1], strides = [1]} : vector<16xi32> to vector<1xi32>
        %squeeze3A_378 = vector.extract %slice3A_377[0] : i32 from vector<1xi32>
        %mul3A_379 = arith.constant 8 : i32
        %mul3A_380 = arith.muli %add3A_304, %mul3A_379 : i32
        %add3A_381 = arith.constant 3 : i32
        %add3A_382 = arith.addi %mul3A_380, %add3A_381 : i32
        %dma_start3A_383 = arith.constant 0 : i32
        %dma_start3A_384 = arith.constant 0 : i32
        %dma_start3A_385 = arith.constant 0 : i32
        %dma_start3A_386 = arith.constant 0 : i32
        %dma_start3A_387 = tpu.memref_slice %arg6[%dma_start3A_384, %add3A_382, %dma_start3A_386] : memref<2x200x64xf32, #tpu.memory_space<vmem>> -> memref<1x1x64xf32, #tpu.memory_space<vmem>>
        %dma_start3A_388 = tpu.memref_squeeze %dma_start3A_387 : memref<1x1x64xf32, #tpu.memory_space<vmem>> -> memref<1x64xf32, #tpu.memory_space<vmem>>
        %dma_start3A_389 = arith.constant 0 : i32
        %dma_start3A_390 = tpu.memref_slice %arg2[%dma_start3A_383, %squeeze3A_378, %dma_start3A_389] : memref<1x1000000x64xf32, #tpu.memory_space<hbm>> -> memref<1x1x64xf32, #tpu.memory_space<hbm>>
        %dma_start3A_391 = tpu.memref_squeeze %dma_start3A_390 : memref<1x1x64xf32, #tpu.memory_space<hbm>> -> memref<1x64xf32, #tpu.memory_space<hbm>>
        %dma_start3A_392 = tpu.memref_slice %arg7[%dma_start3A_385] : memref<2x!tpu.dma_semaphore, #tpu.memory_space<semaphore_mem>> -> memref<1x!tpu.dma_semaphore, #tpu.memory_space<semaphore_mem>>
        %dma_start3A_393 = tpu.memref_squeeze %dma_start3A_392 : memref<1x!tpu.dma_semaphore, #tpu.memory_space<semaphore_mem>> -> memref<!tpu.dma_semaphore, #tpu.memory_space<semaphore_mem>>
        %dma_start3A_394 = arith.constant 0 : i32
        %dma_start3A_395 = tpu.memref_slice %arg6[%dma_start3A_384, %add3A_382, %dma_start3A_394] : memref<2x200x64xf32, #tpu.memory_space<vmem>> -> memref<1x1x64xf32, #tpu.memory_space<vmem>>
        %dma_start3A_396 = tpu.memref_squeeze %dma_start3A_395 : memref<1x1x64xf32, #tpu.memory_space<vmem>> -> memref<1x64xf32, #tpu.memory_space<vmem>>
        %dma_start3A_397 = arith.constant 0 : i32
        %dma_start3A_398 = tpu.memref_slice %arg2[%dma_start3A_383, %squeeze3A_378, %dma_start3A_397] : memref<1x1000000x64xf32, #tpu.memory_space<hbm>> -> memref<1x1x64xf32, #tpu.memory_space<hbm>>
        %dma_start3A_399 = tpu.memref_squeeze %dma_start3A_398 : memref<1x1x64xf32, #tpu.memory_space<hbm>> -> memref<1x64xf32, #tpu.memory_space<hbm>>
        tpu.enqueue_dma source(%dma_start3A_399 : memref<1x64xf32, #tpu.memory_space<hbm>>) target(%dma_start3A_396 : memref<1x64xf32, #tpu.memory_space<vmem>>) target_semaphore(%dma_start3A_393 : memref<!tpu.dma_semaphore, #tpu.memory_space<semaphore_mem>>)
        %slice3A_400 = vector.extract_strided_slice %get3A_309 {offsets = [4], sizes = [1], strides = [1]} : vector<16xi32> to vector<1xi32>
        %squeeze3A_401 = vector.extract %slice3A_400[0] : i32 from vector<1xi32>
        %mul3A_402 = arith.constant 8 : i32
        %mul3A_403 = arith.muli %add3A_304, %mul3A_402 : i32
        %add3A_404 = arith.constant 4 : i32
        %add3A_405 = arith.addi %mul3A_403, %add3A_404 : i32
        %dma_start3A_406 = arith.constant 0 : i32
        %dma_start3A_407 = arith.constant 0 : i32
        %dma_start3A_408 = arith.constant 0 : i32
        %dma_start3A_409 = arith.constant 0 : i32
        %dma_start3A_410 = tpu.memref_slice %arg6[%dma_start3A_407, %add3A_405, %dma_start3A_409] : memref<2x200x64xf32, #tpu.memory_space<vmem>> -> memref<1x1x64xf32, #tpu.memory_space<vmem>>
        %dma_start3A_411 = tpu.memref_squeeze %dma_start3A_410 : memref<1x1x64xf32, #tpu.memory_space<vmem>> -> memref<1x64xf32, #tpu.memory_space<vmem>>
        %dma_start3A_412 = arith.constant 0 : i32
        %dma_start3A_413 = tpu.memref_slice %arg2[%dma_start3A_406, %squeeze3A_401, %dma_start3A_412] : memref<1x1000000x64xf32, #tpu.memory_space<hbm>> -> memref<1x1x64xf32, #tpu.memory_space<hbm>>
        %dma_start3A_414 = tpu.memref_squeeze %dma_start3A_413 : memref<1x1x64xf32, #tpu.memory_space<hbm>> -> memref<1x64xf32, #tpu.memory_space<hbm>>
        %dma_start3A_415 = tpu.memref_slice %arg7[%dma_start3A_408] : memref<2x!tpu.dma_semaphore, #tpu.memory_space<semaphore_mem>> -> memref<1x!tpu.dma_semaphore, #tpu.memory_space<semaphore_mem>>
        %dma_start3A_416 = tpu.memref_squeeze %dma_start3A_415 : memref<1x!tpu.dma_semaphore, #tpu.memory_space<semaphore_mem>> -> memref<!tpu.dma_semaphore, #tpu.memory_space<semaphore_mem>>
        %dma_start3A_417 = arith.constant 0 : i32
        %dma_start3A_418 = tpu.memref_slice %arg6[%dma_start3A_407, %add3A_405, %dma_start3A_417] : memref<2x200x64xf32, #tpu.memory_space<vmem>> -> memref<1x1x64xf32, #tpu.memory_space<vmem>>
        %dma_start3A_419 = tpu.memref_squeeze %dma_start3A_418 : memref<1x1x64xf32, #tpu.memory_space<vmem>> -> memref<1x64xf32, #tpu.memory_space<vmem>>
        %dma_start3A_420 = arith.constant 0 : i32
        %dma_start3A_421 = tpu.memref_slice %arg2[%dma_start3A_406, %squeeze3A_401, %dma_start3A_420] : memref<1x1000000x64xf32, #tpu.memory_space<hbm>> -> memref<1x1x64xf32, #tpu.memory_space<hbm>>
        %dma_start3A_422 = tpu.memref_squeeze %dma_start3A_421 : memref<1x1x64xf32, #tpu.memory_space<hbm>> -> memref<1x64xf32, #tpu.memory_space<hbm>>
        tpu.enqueue_dma source(%dma_start3A_422 : memref<1x64xf32, #tpu.memory_space<hbm>>) target(%dma_start3A_419 : memref<1x64xf32, #tpu.memory_space<vmem>>) target_semaphore(%dma_start3A_416 : memref<!tpu.dma_semaphore, #tpu.memory_space<semaphore_mem>>)
        %slice3A_423 = vector.extract_strided_slice %get3A_309 {offsets = [5], sizes = [1], strides = [1]} : vector<16xi32> to vector<1xi32>
        %squeeze3A_424 = vector.extract %slice3A_423[0] : i32 from vector<1xi32>
        %mul3A_425 = arith.constant 8 : i32
        %mul3A_426 = arith.muli %add3A_304, %mul3A_425 : i32
        %add3A_427 = arith.constant 5 : i32
        %add3A_428 = arith.addi %mul3A_426, %add3A_427 : i32
        %dma_start3A_429 = arith.constant 0 : i32
        %dma_start3A_430 = arith.constant 0 : i32
        %dma_start3A_431 = arith.constant 0 : i32
        %dma_start3A_432 = arith.constant 0 : i32
        %dma_start3A_433 = tpu.memref_slice %arg6[%dma_start3A_430, %add3A_428, %dma_start3A_432] : memref<2x200x64xf32, #tpu.memory_space<vmem>> -> memref<1x1x64xf32, #tpu.memory_space<vmem>>
        %dma_start3A_434 = tpu.memref_squeeze %dma_start3A_433 : memref<1x1x64xf32, #tpu.memory_space<vmem>> -> memref<1x64xf32, #tpu.memory_space<vmem>>
        %dma_start3A_435 = arith.constant 0 : i32
        %dma_start3A_436 = tpu.memref_slice %arg2[%dma_start3A_429, %squeeze3A_424, %dma_start3A_435] : memref<1x1000000x64xf32, #tpu.memory_space<hbm>> -> memref<1x1x64xf32, #tpu.memory_space<hbm>>
        %dma_start3A_437 = tpu.memref_squeeze %dma_start3A_436 : memref<1x1x64xf32, #tpu.memory_space<hbm>> -> memref<1x64xf32, #tpu.memory_space<hbm>>
        %dma_start3A_438 = tpu.memref_slice %arg7[%dma_start3A_431] : memref<2x!tpu.dma_semaphore, #tpu.memory_space<semaphore_mem>> -> memref<1x!tpu.dma_semaphore, #tpu.memory_space<semaphore_mem>>
        %dma_start3A_439 = tpu.memref_squeeze %dma_start3A_438 : memref<1x!tpu.dma_semaphore, #tpu.memory_space<semaphore_mem>> -> memref<!tpu.dma_semaphore, #tpu.memory_space<semaphore_mem>>
        %dma_start3A_440 = arith.constant 0 : i32
        %dma_start3A_441 = tpu.memref_slice %arg6[%dma_start3A_430, %add3A_428, %dma_start3A_440] : memref<2x200x64xf32, #tpu.memory_space<vmem>> -> memref<1x1x64xf32, #tpu.memory_space<vmem>>
        %dma_start3A_442 = tpu.memref_squeeze %dma_start3A_441 : memref<1x1x64xf32, #tpu.memory_space<vmem>> -> memref<1x64xf32, #tpu.memory_space<vmem>>
        %dma_start3A_443 = arith.constant 0 : i32
        %dma_start3A_444 = tpu.memref_slice %arg2[%dma_start3A_429, %squeeze3A_424, %dma_start3A_443] : memref<1x1000000x64xf32, #tpu.memory_space<hbm>> -> memref<1x1x64xf32, #tpu.memory_space<hbm>>
        %dma_start3A_445 = tpu.memref_squeeze %dma_start3A_444 : memref<1x1x64xf32, #tpu.memory_space<hbm>> -> memref<1x64xf32, #tpu.memory_space<hbm>>
        tpu.enqueue_dma source(%dma_start3A_445 : memref<1x64xf32, #tpu.memory_space<hbm>>) target(%dma_start3A_442 : memref<1x64xf32, #tpu.memory_space<vmem>>) target_semaphore(%dma_start3A_439 : memref<!tpu.dma_semaphore, #tpu.memory_space<semaphore_mem>>)
        %slice3A_446 = vector.extract_strided_slice %get3A_309 {offsets = [6], sizes = [1], strides = [1]} : vector<16xi32> to vector<1xi32>
        %squeeze3A_447 = vector.extract %slice3A_446[0] : i32 from vector<1xi32>
        %mul3A_448 = arith.constant 8 : i32
        %mul3A_449 = arith.muli %add3A_304, %mul3A_448 : i32
        %add3A_450 = arith.constant 6 : i32
        %add3A_451 = arith.addi %mul3A_449, %add3A_450 : i32
        %dma_start3A_452 = arith.constant 0 : i32
        %dma_start3A_453 = arith.constant 0 : i32
        %dma_start3A_454 = arith.constant 0 : i32
        %dma_start3A_455 = arith.constant 0 : i32
        %dma_start3A_456 = tpu.memref_slice %arg6[%dma_start3A_453, %add3A_451, %dma_start3A_455] : memref<2x200x64xf32, #tpu.memory_space<vmem>> -> memref<1x1x64xf32, #tpu.memory_space<vmem>>
        %dma_start3A_457 = tpu.memref_squeeze %dma_start3A_456 : memref<1x1x64xf32, #tpu.memory_space<vmem>> -> memref<1x64xf32, #tpu.memory_space<vmem>>
        %dma_start3A_458 = arith.constant 0 : i32
        %dma_start3A_459 = tpu.memref_slice %arg2[%dma_start3A_452, %squeeze3A_447, %dma_start3A_458] : memref<1x1000000x64xf32, #tpu.memory_space<hbm>> -> memref<1x1x64xf32, #tpu.memory_space<hbm>>
        %dma_start3A_460 = tpu.memref_squeeze %dma_start3A_459 : memref<1x1x64xf32, #tpu.memory_space<hbm>> -> memref<1x64xf32, #tpu.memory_space<hbm>>
        %dma_start3A_461 = tpu.memref_slice %arg7[%dma_start3A_454] : memref<2x!tpu.dma_semaphore, #tpu.memory_space<semaphore_mem>> -> memref<1x!tpu.dma_semaphore, #tpu.memory_space<semaphore_mem>>
        %dma_start3A_462 = tpu.memref_squeeze %dma_start3A_461 : memref<1x!tpu.dma_semaphore, #tpu.memory_space<semaphore_mem>> -> memref<!tpu.dma_semaphore, #tpu.memory_space<semaphore_mem>>
        %dma_start3A_463 = arith.constant 0 : i32
        %dma_start3A_464 = tpu.memref_slice %arg6[%dma_start3A_453, %add3A_451, %dma_start3A_463] : memref<2x200x64xf32, #tpu.memory_space<vmem>> -> memref<1x1x64xf32, #tpu.memory_space<vmem>>
        %dma_start3A_465 = tpu.memref_squeeze %dma_start3A_464 : memref<1x1x64xf32, #tpu.memory_space<vmem>> -> memref<1x64xf32, #tpu.memory_space<vmem>>
        %dma_start3A_466 = arith.constant 0 : i32
        %dma_start3A_467 = tpu.memref_slice %arg2[%dma_start3A_452, %squeeze3A_447, %dma_start3A_466] : memref<1x1000000x64xf32, #tpu.memory_space<hbm>> -> memref<1x1x64xf32, #tpu.memory_space<hbm>>
        %dma_start3A_468 = tpu.memref_squeeze %dma_start3A_467 : memref<1x1x64xf32, #tpu.memory_space<hbm>> -> memref<1x64xf32, #tpu.memory_space<hbm>>
        tpu.enqueue_dma source(%dma_start3A_468 : memref<1x64xf32, #tpu.memory_space<hbm>>) target(%dma_start3A_465 : memref<1x64xf32, #tpu.memory_space<vmem>>) target_semaphore(%dma_start3A_462 : memref<!tpu.dma_semaphore, #tpu.memory_space<semaphore_mem>>)
        %slice3A_469 = vector.extract_strided_slice %get3A_309 {offsets = [7], sizes = [1], strides = [1]} : vector<16xi32> to vector<1xi32>
        %squeeze3A_470 = vector.extract %slice3A_469[0] : i32 from vector<1xi32>
        %mul3A_471 = arith.constant 8 : i32
        %mul3A_472 = arith.muli %add3A_304, %mul3A_471 : i32
        %add3A_473 = arith.constant 7 : i32
        %add3A_474 = arith.addi %mul3A_472, %add3A_473 : i32
        %dma_start3A_475 = arith.constant 0 : i32
        %dma_start3A_476 = arith.constant 0 : i32
        %dma_start3A_477 = arith.constant 0 : i32
        %dma_start3A_478 = arith.constant 0 : i32
        %dma_start3A_479 = tpu.memref_slice %arg6[%dma_start3A_476, %add3A_474, %dma_start3A_478] : memref<2x200x64xf32, #tpu.memory_space<vmem>> -> memref<1x1x64xf32, #tpu.memory_space<vmem>>
        %dma_start3A_480 = tpu.memref_squeeze %dma_start3A_479 : memref<1x1x64xf32, #tpu.memory_space<vmem>> -> memref<1x64xf32, #tpu.memory_space<vmem>>
        %dma_start3A_481 = arith.constant 0 : i32
        %dma_start3A_482 = tpu.memref_slice %arg2[%dma_start3A_475, %squeeze3A_470, %dma_start3A_481] : memref<1x1000000x64xf32, #tpu.memory_space<hbm>> -> memref<1x1x64xf32, #tpu.memory_space<hbm>>
        %dma_start3A_483 = tpu.memref_squeeze %dma_start3A_482 : memref<1x1x64xf32, #tpu.memory_space<hbm>> -> memref<1x64xf32, #tpu.memory_space<hbm>>
        %dma_start3A_484 = tpu.memref_slice %arg7[%dma_start3A_477] : memref<2x!tpu.dma_semaphore, #tpu.memory_space<semaphore_mem>> -> memref<1x!tpu.dma_semaphore, #tpu.memory_space<semaphore_mem>>
        %dma_start3A_485 = tpu.memref_squeeze %dma_start3A_484 : memref<1x!tpu.dma_semaphore, #tpu.memory_space<semaphore_mem>> -> memref<!tpu.dma_semaphore, #tpu.memory_space<semaphore_mem>>
        %dma_start3A_486 = arith.constant 0 : i32
        %dma_start3A_487 = tpu.memref_slice %arg6[%dma_start3A_476, %add3A_474, %dma_start3A_486] : memref<2x200x64xf32, #tpu.memory_space<vmem>> -> memref<1x1x64xf32, #tpu.memory_space<vmem>>
        %dma_start3A_488 = tpu.memref_squeeze %dma_start3A_487 : memref<1x1x64xf32, #tpu.memory_space<vmem>> -> memref<1x64xf32, #tpu.memory_space<vmem>>
        %dma_start3A_489 = arith.constant 0 : i32
        %dma_start3A_490 = tpu.memref_slice %arg2[%dma_start3A_475, %squeeze3A_470, %dma_start3A_489] : memref<1x1000000x64xf32, #tpu.memory_space<hbm>> -> memref<1x1x64xf32, #tpu.memory_space<hbm>>
        %dma_start3A_491 = tpu.memref_squeeze %dma_start3A_490 : memref<1x1x64xf32, #tpu.memory_space<hbm>> -> memref<1x64xf32, #tpu.memory_space<hbm>>
        tpu.enqueue_dma source(%dma_start3A_491 : memref<1x64xf32, #tpu.memory_space<hbm>>) target(%dma_start3A_488 : memref<1x64xf32, #tpu.memory_space<vmem>>) target_semaphore(%dma_start3A_485 : memref<!tpu.dma_semaphore, #tpu.memory_space<semaphore_mem>>)
      }
      %scan3A_267 = arith.constant 25 : i32
      %add3A_268 = arith.constant 1 : i32
      %add3A_269 = arith.addi %add3A_151, %add3A_268 : i32
      %add3A_270 = arith.addi %mul3A_2, %add3A_269 : i32
      %dma_wait3A_271 = arith.constant 1 : i32
      %dma_wait3A_272 = arith.constant 1 : i32
      %dma_wait3A_273 = arith.constant 0 : i32
      %dma_wait3A_274 = arith.constant 0 : i32
      %dma_wait3A_275 = tpu.memref_slice %arg6[%dma_wait3A_271, %dma_wait3A_273, %dma_wait3A_274] : memref<2x200x64xf32, #tpu.memory_space<vmem>> -> memref<1x200x64xf32, #tpu.memory_space<vmem>>
      %dma_wait3A_276 = tpu.memref_squeeze %dma_wait3A_275 : memref<1x200x64xf32, #tpu.memory_space<vmem>> -> memref<200x64xf32, #tpu.memory_space<vmem>>
      %dma_wait3A_277 = arith.constant 0 : i32
      %dma_wait3A_278 = arith.constant 0 : i32
      %dma_wait3A_279 = tpu.memref_slice %arg4[%add3A_270, %dma_wait3A_277, %dma_wait3A_278] : memref<4096x200x64xf32, #tpu.memory_space<hbm>> -> memref<1x200x64xf32, #tpu.memory_space<hbm>>
      %dma_wait3A_280 = tpu.memref_squeeze %dma_wait3A_279 : memref<1x200x64xf32, #tpu.memory_space<hbm>> -> memref<200x64xf32, #tpu.memory_space<hbm>>
      %dma_wait3A_281 = tpu.memref_slice %arg8[%dma_wait3A_272] : memref<2x!tpu.dma_semaphore, #tpu.memory_space<semaphore_mem>> -> memref<1x!tpu.dma_semaphore, #tpu.memory_space<semaphore_mem>>
      %dma_wait3A_282 = tpu.memref_squeeze %dma_wait3A_281 : memref<1x!tpu.dma_semaphore, #tpu.memory_space<semaphore_mem>> -> memref<!tpu.dma_semaphore, #tpu.memory_space<semaphore_mem>>
      %dma_wait3A_283 = arith.constant 0 : i32
      %dma_wait3A_284 = arith.constant 0 : i32
      %dma_wait3A_285 = tpu.memref_slice %arg4[%add3A_270, %dma_wait3A_283, %dma_wait3A_284] : memref<4096x200x64xf32, #tpu.memory_space<hbm>> -> memref<1x200x64xf32, #tpu.memory_space<hbm>>
      %dma_wait3A_286 = tpu.memref_squeeze %dma_wait3A_285 : memref<1x200x64xf32, #tpu.memory_space<hbm>> -> memref<200x64xf32, #tpu.memory_space<hbm>>
      %dma_wait3A_287 = arith.constant 0 : i32
      %dma_wait3A_288 = arith.constant 0 : i32
      %dma_wait3A_289 = tpu.memref_slice %arg6[%dma_wait3A_271, %dma_wait3A_287, %dma_wait3A_288] : memref<2x200x64xf32, #tpu.memory_space<vmem>> -> memref<1x200x64xf32, #tpu.memory_space<vmem>>
      %dma_wait3A_290 = tpu.memref_squeeze %dma_wait3A_289 : memref<1x200x64xf32, #tpu.memory_space<vmem>> -> memref<200x64xf32, #tpu.memory_space<vmem>>
      tpu.wait_dma2 semaphore(%dma_wait3A_282 : memref<!tpu.dma_semaphore, #tpu.memory_space<semaphore_mem>>) src(%dma_wait3A_290 : memref<200x64xf32, #tpu.memory_space<vmem>>) dst(%dma_wait3A_286 : memref<200x64xf32, #tpu.memory_space<hbm>>)
      %add3A_291 = arith.constant 3 : i32
      %add3A_292 = arith.addi %add3A_151, %add3A_291 : i32
      %mul3A_293 = arith.constant 200 : i32
      %mul3A_294 = arith.muli %add3A_292, %mul3A_293 : i32
      %scan3A_295 = arith.constant 0 : i32
      %scan3A_296 = arith.constant 25 : i32
      %scan3A_297 = arith.addi %scan3A_295, %scan3A_296 : i32
      %scan3A_298 = arith.constant 1 : i32
      scf.for %scan3A_300 = %scan3A_295 to %scan3A_297 step %scan3A_298  : i32 {
        %mul3A_301 = arith.constant 1 : i32
        %mul3A_302 = arith.muli %scan3A_300, %mul3A_301 : i32
        %add3A_303 = arith.constant 0 : i32
        %add3A_304 = arith.addi %add3A_303, %mul3A_302 : i32
        %mul3A_305 = arith.constant 8 : i32
        %mul3A_306 = arith.muli %add3A_304, %mul3A_305 : i32
        %add3A_307 = arith.addi %mul3A_294, %mul3A_306 : i32
        %get3A = arith.index_cast %add3A_307 : i32 to index
        %get3A_308 = tpu.vector_load %arg5[%get3A] {strides = array<i32>} : memref<25616xi32, #tpu.memory_space<vmem>>, vector<16xi32>,
        %get3A_309 = vector.shape_cast %get3A_308 : vector<16xi32> to vector<16xi32>
        %slice3A = vector.extract_strided_slice %get3A_309 {offsets = [0], sizes = [1], strides = [1]} : vector<16xi32> to vector<1xi32>
        %squeeze3A = vector.extract %slice3A[0] : i32 from vector<1xi32>
        %mul3A_310 = arith.constant 8 : i32
        %mul3A_311 = arith.muli %add3A_304, %mul3A_310 : i32
        %add3A_312 = arith.constant 0 : i32
        %add3A_313 = arith.addi %mul3A_311, %add3A_312 : i32
        %dma_start3A_314 = arith.constant 0 : i32
        %dma_start3A_315 = arith.constant 1 : i32
        %dma_start3A_316 = arith.constant 1 : i32
        %dma_start3A_317 = arith.constant 0 : i32
        %dma_start3A_318 = tpu.memref_slice %arg6[%dma_start3A_315, %add3A_313, %dma_start3A_317] : memref<2x200x64xf32, #tpu.memory_space<vmem>> -> memref<1x1x64xf32, #tpu.memory_space<vmem>>
        %dma_start3A_319 = tpu.memref_squeeze %dma_start3A_318 : memref<1x1x64xf32, #tpu.memory_space<vmem>> -> memref<1x64xf32, #tpu.memory_space<vmem>>
        %dma_start3A_320 = arith.constant 0 : i32
        %dma_start3A_321 = tpu.memref_slice %arg2[%dma_start3A_314, %squeeze3A, %dma_start3A_320] : memref<1x1000000x64xf32, #tpu.memory_space<hbm>> -> memref<1x1x64xf32, #tpu.memory_space<hbm>>
        %dma_start3A_322 = tpu.memref_squeeze %dma_start3A_321 : memref<1x1x64xf32, #tpu.memory_space<hbm>> -> memref<1x64xf32, #tpu.memory_space<hbm>>
        %dma_start3A_323 = tpu.memref_slice %arg7[%dma_start3A_316] : memref<2x!tpu.dma_semaphore, #tpu.memory_space<semaphore_mem>> -> memref<1x!tpu.dma_semaphore, #tpu.memory_space<semaphore_mem>>
        %dma_start3A_324 = tpu.memref_squeeze %dma_start3A_323 : memref<1x!tpu.dma_semaphore, #tpu.memory_space<semaphore_mem>> -> memref<!tpu.dma_semaphore, #tpu.memory_space<semaphore_mem>>
        %dma_start3A_325 = arith.constant 0 : i32
        %dma_start3A_326 = tpu.memref_slice %arg6[%dma_start3A_315, %add3A_313, %dma_start3A_325] : memref<2x200x64xf32, #tpu.memory_space<vmem>> -> memref<1x1x64xf32, #tpu.memory_space<vmem>>
        %dma_start3A_327 = tpu.memref_squeeze %dma_start3A_326 : memref<1x1x64xf32, #tpu.memory_space<vmem>> -> memref<1x64xf32, #tpu.memory_space<vmem>>
        %dma_start3A_328 = arith.constant 0 : i32
        %dma_start3A_329 = tpu.memref_slice %arg2[%dma_start3A_314, %squeeze3A, %dma_start3A_328] : memref<1x1000000x64xf32, #tpu.memory_space<hbm>> -> memref<1x1x64xf32, #tpu.memory_space<hbm>>
        %dma_start3A_330 = tpu.memref_squeeze %dma_start3A_329 : memref<1x1x64xf32, #tpu.memory_space<hbm>> -> memref<1x64xf32, #tpu.memory_space<hbm>>
        tpu.enqueue_dma source(%dma_start3A_330 : memref<1x64xf32, #tpu.memory_space<hbm>>) target(%dma_start3A_327 : memref<1x64xf32, #tpu.memory_space<vmem>>) target_semaphore(%dma_start3A_324 : memref<!tpu.dma_semaphore, #tpu.memory_space<semaphore_mem>>)
        %slice3A_331 = vector.extract_strided_slice %get3A_309 {offsets = [1], sizes = [1], strides = [1]} : vector<16xi32> to vector<1xi32>
        %squeeze3A_332 = vector.extract %slice3A_331[0] : i32 from vector<1xi32>
        %mul3A_333 = arith.constant 8 : i32
        %mul3A_334 = arith.muli %add3A_304, %mul3A_333 : i32
        %add3A_335 = arith.constant 1 : i32
        %add3A_336 = arith.addi %mul3A_334, %add3A_335 : i32
        %dma_start3A_337 = arith.constant 0 : i32
        %dma_start3A_338 = arith.constant 1 : i32
        %dma_start3A_339 = arith.constant 1 : i32
        %dma_start3A_340 = arith.constant 0 : i32
        %dma_start3A_341 = tpu.memref_slice %arg6[%dma_start3A_338, %add3A_336, %dma_start3A_340] : memref<2x200x64xf32, #tpu.memory_space<vmem>> -> memref<1x1x64xf32, #tpu.memory_space<vmem>>
        %dma_start3A_342 = tpu.memref_squeeze %dma_start3A_341 : memref<1x1x64xf32, #tpu.memory_space<vmem>> -> memref<1x64xf32, #tpu.memory_space<vmem>>
        %dma_start3A_343 = arith.constant 0 : i32
        %dma_start3A_344 = tpu.memref_slice %arg2[%dma_start3A_337, %squeeze3A_332, %dma_start3A_343] : memref<1x1000000x64xf32, #tpu.memory_space<hbm>> -> memref<1x1x64xf32, #tpu.memory_space<hbm>>
        %dma_start3A_345 = tpu.memref_squeeze %dma_start3A_344 : memref<1x1x64xf32, #tpu.memory_space<hbm>> -> memref<1x64xf32, #tpu.memory_space<hbm>>
        %dma_start3A_346 = tpu.memref_slice %arg7[%dma_start3A_339] : memref<2x!tpu.dma_semaphore, #tpu.memory_space<semaphore_mem>> -> memref<1x!tpu.dma_semaphore, #tpu.memory_space<semaphore_mem>>
        %dma_start3A_347 = tpu.memref_squeeze %dma_start3A_346 : memref<1x!tpu.dma_semaphore, #tpu.memory_space<semaphore_mem>> -> memref<!tpu.dma_semaphore, #tpu.memory_space<semaphore_mem>>
        %dma_start3A_348 = arith.constant 0 : i32
        %dma_start3A_349 = tpu.memref_slice %arg6[%dma_start3A_338, %add3A_336, %dma_start3A_348] : memref<2x200x64xf32, #tpu.memory_space<vmem>> -> memref<1x1x64xf32, #tpu.memory_space<vmem>>
        %dma_start3A_350 = tpu.memref_squeeze %dma_start3A_349 : memref<1x1x64xf32, #tpu.memory_space<vmem>> -> memref<1x64xf32, #tpu.memory_space<vmem>>
        %dma_start3A_351 = arith.constant 0 : i32
        %dma_start3A_352 = tpu.memref_slice %arg2[%dma_start3A_337, %squeeze3A_332, %dma_start3A_351] : memref<1x1000000x64xf32, #tpu.memory_space<hbm>> -> memref<1x1x64xf32, #tpu.memory_space<hbm>>
        %dma_start3A_353 = tpu.memref_squeeze %dma_start3A_352 : memref<1x1x64xf32, #tpu.memory_space<hbm>> -> memref<1x64xf32, #tpu.memory_space<hbm>>
        tpu.enqueue_dma source(%dma_start3A_353 : memref<1x64xf32, #tpu.memory_space<hbm>>) target(%dma_start3A_350 : memref<1x64xf32, #tpu.memory_space<vmem>>) target_semaphore(%dma_start3A_347 : memref<!tpu.dma_semaphore, #tpu.memory_space<semaphore_mem>>)
        %slice3A_354 = vector.extract_strided_slice %get3A_309 {offsets = [2], sizes = [1], strides = [1]} : vector<16xi32> to vector<1xi32>
        %squeeze3A_355 = vector.extract %slice3A_354[0] : i32 from vector<1xi32>
        %mul3A_356 = arith.constant 8 : i32
        %mul3A_357 = arith.muli %add3A_304, %mul3A_356 : i32
        %add3A_358 = arith.constant 2 : i32
        %add3A_359 = arith.addi %mul3A_357, %add3A_358 : i32
        %dma_start3A_360 = arith.constant 0 : i32
        %dma_start3A_361 = arith.constant 1 : i32
        %dma_start3A_362 = arith.constant 1 : i32
        %dma_start3A_363 = arith.constant 0 : i32
        %dma_start3A_364 = tpu.memref_slice %arg6[%dma_start3A_361, %add3A_359, %dma_start3A_363] : memref<2x200x64xf32, #tpu.memory_space<vmem>> -> memref<1x1x64xf32, #tpu.memory_space<vmem>>
        %dma_start3A_365 = tpu.memref_squeeze %dma_start3A_364 : memref<1x1x64xf32, #tpu.memory_space<vmem>> -> memref<1x64xf32, #tpu.memory_space<vmem>>
        %dma_start3A_366 = arith.constant 0 : i32
        %dma_start3A_367 = tpu.memref_slice %arg2[%dma_start3A_360, %squeeze3A_355, %dma_start3A_366] : memref<1x1000000x64xf32, #tpu.memory_space<hbm>> -> memref<1x1x64xf32, #tpu.memory_space<hbm>>
        %dma_start3A_368 = tpu.memref_squeeze %dma_start3A_367 : memref<1x1x64xf32, #tpu.memory_space<hbm>> -> memref<1x64xf32, #tpu.memory_space<hbm>>
        %dma_start3A_369 = tpu.memref_slice %arg7[%dma_start3A_362] : memref<2x!tpu.dma_semaphore, #tpu.memory_space<semaphore_mem>> -> memref<1x!tpu.dma_semaphore, #tpu.memory_space<semaphore_mem>>
        %dma_start3A_370 = tpu.memref_squeeze %dma_start3A_369 : memref<1x!tpu.dma_semaphore, #tpu.memory_space<semaphore_mem>> -> memref<!tpu.dma_semaphore, #tpu.memory_space<semaphore_mem>>
        %dma_start3A_371 = arith.constant 0 : i32
        %dma_start3A_372 = tpu.memref_slice %arg6[%dma_start3A_361, %add3A_359, %dma_start3A_371] : memref<2x200x64xf32, #tpu.memory_space<vmem>> -> memref<1x1x64xf32, #tpu.memory_space<vmem>>
        %dma_start3A_373 = tpu.memref_squeeze %dma_start3A_372 : memref<1x1x64xf32, #tpu.memory_space<vmem>> -> memref<1x64xf32, #tpu.memory_space<vmem>>
        %dma_start3A_374 = arith.constant 0 : i32
        %dma_start3A_375 = tpu.memref_slice %arg2[%dma_start3A_360, %squeeze3A_355, %dma_start3A_374] : memref<1x1000000x64xf32, #tpu.memory_space<hbm>> -> memref<1x1x64xf32, #tpu.memory_space<hbm>>
        %dma_start3A_376 = tpu.memref_squeeze %dma_start3A_375 : memref<1x1x64xf32, #tpu.memory_space<hbm>> -> memref<1x64xf32, #tpu.memory_space<hbm>>
        tpu.enqueue_dma source(%dma_start3A_376 : memref<1x64xf32, #tpu.memory_space<hbm>>) target(%dma_start3A_373 : memref<1x64xf32, #tpu.memory_space<vmem>>) target_semaphore(%dma_start3A_370 : memref<!tpu.dma_semaphore, #tpu.memory_space<semaphore_mem>>)
        %slice3A_377 = vector.extract_strided_slice %get3A_309 {offsets = [3], sizes = [1], strides = [1]} : vector<16xi32> to vector<1xi32>
        %squeeze3A_378 = vector.extract %slice3A_377[0] : i32 from vector<1xi32>
        %mul3A_379 = arith.constant 8 : i32
        %mul3A_380 = arith.muli %add3A_304, %mul3A_379 : i32
        %add3A_381 = arith.constant 3 : i32
        %add3A_382 = arith.addi %mul3A_380, %add3A_381 : i32
        %dma_start3A_383 = arith.constant 0 : i32
        %dma_start3A_384 = arith.constant 1 : i32
        %dma_start3A_385 = arith.constant 1 : i32
        %dma_start3A_386 = arith.constant 0 : i32
        %dma_start3A_387 = tpu.memref_slice %arg6[%dma_start3A_384, %add3A_382, %dma_start3A_386] : memref<2x200x64xf32, #tpu.memory_space<vmem>> -> memref<1x1x64xf32, #tpu.memory_space<vmem>>
        %dma_start3A_388 = tpu.memref_squeeze %dma_start3A_387 : memref<1x1x64xf32, #tpu.memory_space<vmem>> -> memref<1x64xf32, #tpu.memory_space<vmem>>
        %dma_start3A_389 = arith.constant 0 : i32
        %dma_start3A_390 = tpu.memref_slice %arg2[%dma_start3A_383, %squeeze3A_378, %dma_start3A_389] : memref<1x1000000x64xf32, #tpu.memory_space<hbm>> -> memref<1x1x64xf32, #tpu.memory_space<hbm>>
        %dma_start3A_391 = tpu.memref_squeeze %dma_start3A_390 : memref<1x1x64xf32, #tpu.memory_space<hbm>> -> memref<1x64xf32, #tpu.memory_space<hbm>>
        %dma_start3A_392 = tpu.memref_slice %arg7[%dma_start3A_385] : memref<2x!tpu.dma_semaphore, #tpu.memory_space<semaphore_mem>> -> memref<1x!tpu.dma_semaphore, #tpu.memory_space<semaphore_mem>>
        %dma_start3A_393 = tpu.memref_squeeze %dma_start3A_392 : memref<1x!tpu.dma_semaphore, #tpu.memory_space<semaphore_mem>> -> memref<!tpu.dma_semaphore, #tpu.memory_space<semaphore_mem>>
        %dma_start3A_394 = arith.constant 0 : i32
        %dma_start3A_395 = tpu.memref_slice %arg6[%dma_start3A_384, %add3A_382, %dma_start3A_394] : memref<2x200x64xf32, #tpu.memory_space<vmem>> -> memref<1x1x64xf32, #tpu.memory_space<vmem>>
        %dma_start3A_396 = tpu.memref_squeeze %dma_start3A_395 : memref<1x1x64xf32, #tpu.memory_space<vmem>> -> memref<1x64xf32, #tpu.memory_space<vmem>>
        %dma_start3A_397 = arith.constant 0 : i32
        %dma_start3A_398 = tpu.memref_slice %arg2[%dma_start3A_383, %squeeze3A_378, %dma_start3A_397] : memref<1x1000000x64xf32, #tpu.memory_space<hbm>> -> memref<1x1x64xf32, #tpu.memory_space<hbm>>
        %dma_start3A_399 = tpu.memref_squeeze %dma_start3A_398 : memref<1x1x64xf32, #tpu.memory_space<hbm>> -> memref<1x64xf32, #tpu.memory_space<hbm>>
        tpu.enqueue_dma source(%dma_start3A_399 : memref<1x64xf32, #tpu.memory_space<hbm>>) target(%dma_start3A_396 : memref<1x64xf32, #tpu.memory_space<vmem>>) target_semaphore(%dma_start3A_393 : memref<!tpu.dma_semaphore, #tpu.memory_space<semaphore_mem>>)
        %slice3A_400 = vector.extract_strided_slice %get3A_309 {offsets = [4], sizes = [1], strides = [1]} : vector<16xi32> to vector<1xi32>
        %squeeze3A_401 = vector.extract %slice3A_400[0] : i32 from vector<1xi32>
        %mul3A_402 = arith.constant 8 : i32
        %mul3A_403 = arith.muli %add3A_304, %mul3A_402 : i32
        %add3A_404 = arith.constant 4 : i32
        %add3A_405 = arith.addi %mul3A_403, %add3A_404 : i32
        %dma_start3A_406 = arith.constant 0 : i32
        %dma_start3A_407 = arith.constant 1 : i32
        %dma_start3A_408 = arith.constant 1 : i32
        %dma_start3A_409 = arith.constant 0 : i32
        %dma_start3A_410 = tpu.memref_slice %arg6[%dma_start3A_407, %add3A_405, %dma_start3A_409] : memref<2x200x64xf32, #tpu.memory_space<vmem>> -> memref<1x1x64xf32, #tpu.memory_space<vmem>>
        %dma_start3A_411 = tpu.memref_squeeze %dma_start3A_410 : memref<1x1x64xf32, #tpu.memory_space<vmem>> -> memref<1x64xf32, #tpu.memory_space<vmem>>
        %dma_start3A_412 = arith.constant 0 : i32
        %dma_start3A_413 = tpu.memref_slice %arg2[%dma_start3A_406, %squeeze3A_401, %dma_start3A_412] : memref<1x1000000x64xf32, #tpu.memory_space<hbm>> -> memref<1x1x64xf32, #tpu.memory_space<hbm>>
        %dma_start3A_414 = tpu.memref_squeeze %dma_start3A_413 : memref<1x1x64xf32, #tpu.memory_space<hbm>> -> memref<1x64xf32, #tpu.memory_space<hbm>>
        %dma_start3A_415 = tpu.memref_slice %arg7[%dma_start3A_408] : memref<2x!tpu.dma_semaphore, #tpu.memory_space<semaphore_mem>> -> memref<1x!tpu.dma_semaphore, #tpu.memory_space<semaphore_mem>>
        %dma_start3A_416 = tpu.memref_squeeze %dma_start3A_415 : memref<1x!tpu.dma_semaphore, #tpu.memory_space<semaphore_mem>> -> memref<!tpu.dma_semaphore, #tpu.memory_space<semaphore_mem>>
        %dma_start3A_417 = arith.constant 0 : i32
        %dma_start3A_418 = tpu.memref_slice %arg6[%dma_start3A_407, %add3A_405, %dma_start3A_417] : memref<2x200x64xf32, #tpu.memory_space<vmem>> -> memref<1x1x64xf32, #tpu.memory_space<vmem>>
        %dma_start3A_419 = tpu.memref_squeeze %dma_start3A_418 : memref<1x1x64xf32, #tpu.memory_space<vmem>> -> memref<1x64xf32, #tpu.memory_space<vmem>>
        %dma_start3A_420 = arith.constant 0 : i32
        %dma_start3A_421 = tpu.memref_slice %arg2[%dma_start3A_406, %squeeze3A_401, %dma_start3A_420] : memref<1x1000000x64xf32, #tpu.memory_space<hbm>> -> memref<1x1x64xf32, #tpu.memory_space<hbm>>
        %dma_start3A_422 = tpu.memref_squeeze %dma_start3A_421 : memref<1x1x64xf32, #tpu.memory_space<hbm>> -> memref<1x64xf32, #tpu.memory_space<hbm>>
        tpu.enqueue_dma source(%dma_start3A_422 : memref<1x64xf32, #tpu.memory_space<hbm>>) target(%dma_start3A_419 : memref<1x64xf32, #tpu.memory_space<vmem>>) target_semaphore(%dma_start3A_416 : memref<!tpu.dma_semaphore, #tpu.memory_space<semaphore_mem>>)
        %slice3A_423 = vector.extract_strided_slice %get3A_309 {offsets = [5], sizes = [1], strides = [1]} : vector<16xi32> to vector<1xi32>
        %squeeze3A_424 = vector.extract %slice3A_423[0] : i32 from vector<1xi32>
        %mul3A_425 = arith.constant 8 : i32
        %mul3A_426 = arith.muli %add3A_304, %mul3A_425 : i32
        %add3A_427 = arith.constant 5 : i32
        %add3A_428 = arith.addi %mul3A_426, %add3A_427 : i32
        %dma_start3A_429 = arith.constant 0 : i32
        %dma_start3A_430 = arith.constant 1 : i32
        %dma_start3A_431 = arith.constant 1 : i32
        %dma_start3A_432 = arith.constant 0 : i32
        %dma_start3A_433 = tpu.memref_slice %arg6[%dma_start3A_430, %add3A_428, %dma_start3A_432] : memref<2x200x64xf32, #tpu.memory_space<vmem>> -> memref<1x1x64xf32, #tpu.memory_space<vmem>>
        %dma_start3A_434 = tpu.memref_squeeze %dma_start3A_433 : memref<1x1x64xf32, #tpu.memory_space<vmem>> -> memref<1x64xf32, #tpu.memory_space<vmem>>
        %dma_start3A_435 = arith.constant 0 : i32
        %dma_start3A_436 = tpu.memref_slice %arg2[%dma_start3A_429, %squeeze3A_424, %dma_start3A_435] : memref<1x1000000x64xf32, #tpu.memory_space<hbm>> -> memref<1x1x64xf32, #tpu.memory_space<hbm>>
        %dma_start3A_437 = tpu.memref_squeeze %dma_start3A_436 : memref<1x1x64xf32, #tpu.memory_space<hbm>> -> memref<1x64xf32, #tpu.memory_space<hbm>>
        %dma_start3A_438 = tpu.memref_slice %arg7[%dma_start3A_431] : memref<2x!tpu.dma_semaphore, #tpu.memory_space<semaphore_mem>> -> memref<1x!tpu.dma_semaphore, #tpu.memory_space<semaphore_mem>>
        %dma_start3A_439 = tpu.memref_squeeze %dma_start3A_438 : memref<1x!tpu.dma_semaphore, #tpu.memory_space<semaphore_mem>> -> memref<!tpu.dma_semaphore, #tpu.memory_space<semaphore_mem>>
        %dma_start3A_440 = arith.constant 0 : i32
        %dma_start3A_441 = tpu.memref_slice %arg6[%dma_start3A_430, %add3A_428, %dma_start3A_440] : memref<2x200x64xf32, #tpu.memory_space<vmem>> -> memref<1x1x64xf32, #tpu.memory_space<vmem>>
        %dma_start3A_442 = tpu.memref_squeeze %dma_start3A_441 : memref<1x1x64xf32, #tpu.memory_space<vmem>> -> memref<1x64xf32, #tpu.memory_space<vmem>>
        %dma_start3A_443 = arith.constant 0 : i32
        %dma_start3A_444 = tpu.memref_slice %arg2[%dma_start3A_429, %squeeze3A_424, %dma_start3A_443] : memref<1x1000000x64xf32, #tpu.memory_space<hbm>> -> memref<1x1x64xf32, #tpu.memory_space<hbm>>
        %dma_start3A_445 = tpu.memref_squeeze %dma_start3A_444 : memref<1x1x64xf32, #tpu.memory_space<hbm>> -> memref<1x64xf32, #tpu.memory_space<hbm>>
        tpu.enqueue_dma source(%dma_start3A_445 : memref<1x64xf32, #tpu.memory_space<hbm>>) target(%dma_start3A_442 : memref<1x64xf32, #tpu.memory_space<vmem>>) target_semaphore(%dma_start3A_439 : memref<!tpu.dma_semaphore, #tpu.memory_space<semaphore_mem>>)
        %slice3A_446 = vector.extract_strided_slice %get3A_309 {offsets = [6], sizes = [1], strides = [1]} : vector<16xi32> to vector<1xi32>
        %squeeze3A_447 = vector.extract %slice3A_446[0] : i32 from vector<1xi32>
        %mul3A_448 = arith.constant 8 : i32
        %mul3A_449 = arith.muli %add3A_304, %mul3A_448 : i32
        %add3A_450 = arith.constant 6 : i32
        %add3A_451 = arith.addi %mul3A_449, %add3A_450 : i32
        %dma_start3A_452 = arith.constant 0 : i32
        %dma_start3A_453 = arith.constant 1 : i32
        %dma_start3A_454 = arith.constant 1 : i32
        %dma_start3A_455 = arith.constant 0 : i32
        %dma_start3A_456 = tpu.memref_slice %arg6[%dma_start3A_453, %add3A_451, %dma_start3A_455] : memref<2x200x64xf32, #tpu.memory_space<vmem>> -> memref<1x1x64xf32, #tpu.memory_space<vmem>>
        %dma_start3A_457 = tpu.memref_squeeze %dma_start3A_456 : memref<1x1x64xf32, #tpu.memory_space<vmem>> -> memref<1x64xf32, #tpu.memory_space<vmem>>
        %dma_start3A_458 = arith.constant 0 : i32
        %dma_start3A_459 = tpu.memref_slice %arg2[%dma_start3A_452, %squeeze3A_447, %dma_start3A_458] : memref<1x1000000x64xf32, #tpu.memory_space<hbm>> -> memref<1x1x64xf32, #tpu.memory_space<hbm>>
        %dma_start3A_460 = tpu.memref_squeeze %dma_start3A_459 : memref<1x1x64xf32, #tpu.memory_space<hbm>> -> memref<1x64xf32, #tpu.memory_space<hbm>>
        %dma_start3A_461 = tpu.memref_slice %arg7[%dma_start3A_454] : memref<2x!tpu.dma_semaphore, #tpu.memory_space<semaphore_mem>> -> memref<1x!tpu.dma_semaphore, #tpu.memory_space<semaphore_mem>>
        %dma_start3A_462 = tpu.memref_squeeze %dma_start3A_461 : memref<1x!tpu.dma_semaphore, #tpu.memory_space<semaphore_mem>> -> memref<!tpu.dma_semaphore, #tpu.memory_space<semaphore_mem>>
        %dma_start3A_463 = arith.constant 0 : i32
        %dma_start3A_464 = tpu.memref_slice %arg6[%dma_start3A_453, %add3A_451, %dma_start3A_463] : memref<2x200x64xf32, #tpu.memory_space<vmem>> -> memref<1x1x64xf32, #tpu.memory_space<vmem>>
        %dma_start3A_465 = tpu.memref_squeeze %dma_start3A_464 : memref<1x1x64xf32, #tpu.memory_space<vmem>> -> memref<1x64xf32, #tpu.memory_space<vmem>>
        %dma_start3A_466 = arith.constant 0 : i32
        %dma_start3A_467 = tpu.memref_slice %arg2[%dma_start3A_452, %squeeze3A_447, %dma_start3A_466] : memref<1x1000000x64xf32, #tpu.memory_space<hbm>> -> memref<1x1x64xf32, #tpu.memory_space<hbm>>
        %dma_start3A_468 = tpu.memref_squeeze %dma_start3A_467 : memref<1x1x64xf32, #tpu.memory_space<hbm>> -> memref<1x64xf32, #tpu.memory_space<hbm>>
        tpu.enqueue_dma source(%dma_start3A_468 : memref<1x64xf32, #tpu.memory_space<hbm>>) target(%dma_start3A_465 : memref<1x64xf32, #tpu.memory_space<vmem>>) target_semaphore(%dma_start3A_462 : memref<!tpu.dma_semaphore, #tpu.memory_space<semaphore_mem>>)
        %slice3A_469 = vector.extract_strided_slice %get3A_309 {offsets = [7], sizes = [1], strides = [1]} : vector<16xi32> to vector<1xi32>
        %squeeze3A_470 = vector.extract %slice3A_469[0] : i32 from vector<1xi32>
        %mul3A_471 = arith.constant 8 : i32
        %mul3A_472 = arith.muli %add3A_304, %mul3A_471 : i32
        %add3A_473 = arith.constant 7 : i32
        %add3A_474 = arith.addi %mul3A_472, %add3A_473 : i32
        %dma_start3A_475 = arith.constant 0 : i32
        %dma_start3A_476 = arith.constant 1 : i32
        %dma_start3A_477 = arith.constant 1 : i32
        %dma_start3A_478 = arith.constant 0 : i32
        %dma_start3A_479 = tpu.memref_slice %arg6[%dma_start3A_476, %add3A_474, %dma_start3A_478] : memref<2x200x64xf32, #tpu.memory_space<vmem>> -> memref<1x1x64xf32, #tpu.memory_space<vmem>>
        %dma_start3A_480 = tpu.memref_squeeze %dma_start3A_479 : memref<1x1x64xf32, #tpu.memory_space<vmem>> -> memref<1x64xf32, #tpu.memory_space<vmem>>
        %dma_start3A_481 = arith.constant 0 : i32
        %dma_start3A_482 = tpu.memref_slice %arg2[%dma_start3A_475, %squeeze3A_470, %dma_start3A_481] : memref<1x1000000x64xf32, #tpu.memory_space<hbm>> -> memref<1x1x64xf32, #tpu.memory_space<hbm>>
        %dma_start3A_483 = tpu.memref_squeeze %dma_start3A_482 : memref<1x1x64xf32, #tpu.memory_space<hbm>> -> memref<1x64xf32, #tpu.memory_space<hbm>>
        %dma_start3A_484 = tpu.memref_slice %arg7[%dma_start3A_477] : memref<2x!tpu.dma_semaphore, #tpu.memory_space<semaphore_mem>> -> memref<1x!tpu.dma_semaphore, #tpu.memory_space<semaphore_mem>>
        %dma_start3A_485 = tpu.memref_squeeze %dma_start3A_484 : memref<1x!tpu.dma_semaphore, #tpu.memory_space<semaphore_mem>> -> memref<!tpu.dma_semaphore, #tpu.memory_space<semaphore_mem>>
        %dma_start3A_486 = arith.constant 0 : i32
        %dma_start3A_487 = tpu.memref_slice %arg6[%dma_start3A_476, %add3A_474, %dma_start3A_486] : memref<2x200x64xf32, #tpu.memory_space<vmem>> -> memref<1x1x64xf32, #tpu.memory_space<vmem>>
        %dma_start3A_488 = tpu.memref_squeeze %dma_start3A_487 : memref<1x1x64xf32, #tpu.memory_space<vmem>> -> memref<1x64xf32, #tpu.memory_space<vmem>>
        %dma_start3A_489 = arith.constant 0 : i32
        %dma_start3A_490 = tpu.memref_slice %arg2[%dma_start3A_475, %squeeze3A_470, %dma_start3A_489] : memref<1x1000000x64xf32, #tpu.memory_space<hbm>> -> memref<1x1x64xf32, #tpu.memory_space<hbm>>
        %dma_start3A_491 = tpu.memref_squeeze %dma_start3A_490 : memref<1x1x64xf32, #tpu.memory_space<hbm>> -> memref<1x64xf32, #tpu.memory_space<hbm>>
        tpu.enqueue_dma source(%dma_start3A_491 : memref<1x64xf32, #tpu.memory_space<hbm>>) target(%dma_start3A_488 : memref<1x64xf32, #tpu.memory_space<vmem>>) target_semaphore(%dma_start3A_485 : memref<!tpu.dma_semaphore, #tpu.memory_space<semaphore_mem>>)
      }
      %scan3A_299 = arith.constant 25 : i32
    }
    %scan3A_18 = arith.constant 63 : i32
    %dma_wait3A = arith.constant 0 : i32
    %dma_wait3A_19 = arith.constant 0 : i32
    %dma_wait3A_20 = arith.constant 0 : i32
    %dma_wait3A_21 = arith.constant 0 : i32
    %dma_wait3A_22 = arith.constant 0 : i32
    %dma_wait3A_23 = tpu.memref_slice %arg6[%dma_wait3A_19, %dma_wait3A_21, %dma_wait3A_22] : memref<2x200x64xf32, #tpu.memory_space<vmem>> -> memref<1x200x64xf32, #tpu.memory_space<vmem>>
    %dma_wait3A_24 = tpu.memref_squeeze %dma_wait3A_23 : memref<1x200x64xf32, #tpu.memory_space<vmem>> -> memref<200x64xf32, #tpu.memory_space<vmem>>
    %dma_wait3A_25 = arith.constant 0 : i32
    %dma_wait3A_26 = arith.constant 0 : i32
    %dma_wait3A_27 = tpu.memref_slice %arg2[%dma_wait3A, %dma_wait3A_25, %dma_wait3A_26] : memref<1x1000000x64xf32, #tpu.memory_space<hbm>> -> memref<1x200x64xf32, #tpu.memory_space<hbm>>
    %dma_wait3A_28 = tpu.memref_squeeze %dma_wait3A_27 : memref<1x200x64xf32, #tpu.memory_space<hbm>> -> memref<200x64xf32, #tpu.memory_space<hbm>>
    %dma_wait3A_29 = tpu.memref_slice %arg7[%dma_wait3A_20] : memref<2x!tpu.dma_semaphore, #tpu.memory_space<semaphore_mem>> -> memref<1x!tpu.dma_semaphore, #tpu.memory_space<semaphore_mem>>
    %dma_wait3A_30 = tpu.memref_squeeze %dma_wait3A_29 : memref<1x!tpu.dma_semaphore, #tpu.memory_space<semaphore_mem>> -> memref<!tpu.dma_semaphore, #tpu.memory_space<semaphore_mem>>
    %dma_wait3A_31 = arith.constant 0 : i32
    %dma_wait3A_32 = arith.constant 0 : i32
    %dma_wait3A_33 = tpu.memref_slice %arg6[%dma_wait3A_19, %dma_wait3A_31, %dma_wait3A_32] : memref<2x200x64xf32, #tpu.memory_space<vmem>> -> memref<1x200x64xf32, #tpu.memory_space<vmem>>
    %dma_wait3A_34 = tpu.memref_squeeze %dma_wait3A_33 : memref<1x200x64xf32, #tpu.memory_space<vmem>> -> memref<200x64xf32, #tpu.memory_space<vmem>>
    %dma_wait3A_35 = arith.constant 0 : i32
    %dma_wait3A_36 = arith.constant 0 : i32
    %dma_wait3A_37 = tpu.memref_slice %arg2[%dma_wait3A, %dma_wait3A_35, %dma_wait3A_36] : memref<1x1000000x64xf32, #tpu.memory_space<hbm>> -> memref<1x200x64xf32, #tpu.memory_space<hbm>>
    %dma_wait3A_38 = tpu.memref_squeeze %dma_wait3A_37 : memref<1x200x64xf32, #tpu.memory_space<hbm>> -> memref<200x64xf32, #tpu.memory_space<hbm>>
    tpu.wait_dma2 semaphore(%dma_wait3A_30 : memref<!tpu.dma_semaphore, #tpu.memory_space<semaphore_mem>>) src(%dma_wait3A_38 : memref<200x64xf32, #tpu.memory_space<hbm>>) dst(%dma_wait3A_34 : memref<200x64xf32, #tpu.memory_space<vmem>>)
    %add3A_39 = arith.constant 126 : i32
    %add3A_40 = arith.addi %mul3A_2, %add3A_39 : i32
    %dma_start3A = arith.constant 0 : i32
    %dma_start3A_41 = arith.constant 0 : i32
    %dma_start3A_42 = arith.constant 0 : i32
    %dma_start3A_43 = arith.constant 0 : i32
    %dma_start3A_44 = tpu.memref_slice %arg6[%dma_start3A, %dma_start3A_42, %dma_start3A_43] : memref<2x200x64xf32, #tpu.memory_space<vmem>> -> memref<1x200x64xf32, #tpu.memory_space<vmem>>
    %dma_start3A_45 = tpu.memref_squeeze %dma_start3A_44 : memref<1x200x64xf32, #tpu.memory_space<vmem>> -> memref<200x64xf32, #tpu.memory_space<vmem>>
    %dma_start3A_46 = arith.constant 0 : i32
    %dma_start3A_47 = arith.constant 0 : i32
    %dma_start3A_48 = tpu.memref_slice %arg4[%add3A_40, %dma_start3A_46, %dma_start3A_47] : memref<4096x200x64xf32, #tpu.memory_space<hbm>> -> memref<1x200x64xf32, #tpu.memory_space<hbm>>
    %dma_start3A_49 = tpu.memref_squeeze %dma_start3A_48 : memref<1x200x64xf32, #tpu.memory_space<hbm>> -> memref<200x64xf32, #tpu.memory_space<hbm>>
    %dma_start3A_50 = tpu.memref_slice %arg8[%dma_start3A_41] : memref<2x!tpu.dma_semaphore, #tpu.memory_space<semaphore_mem>> -> memref<1x!tpu.dma_semaphore, #tpu.memory_space<semaphore_mem>>
    %dma_start3A_51 = tpu.memref_squeeze %dma_start3A_50 : memref<1x!tpu.dma_semaphore, #tpu.memory_space<semaphore_mem>> -> memref<!tpu.dma_semaphore, #tpu.memory_space<semaphore_mem>>
    %dma_start3A_52 = arith.constant 0 : i32
    %dma_start3A_53 = arith.constant 0 : i32
    %dma_start3A_54 = tpu.memref_slice %arg4[%add3A_40, %dma_start3A_52, %dma_start3A_53] : memref<4096x200x64xf32, #tpu.memory_space<hbm>> -> memref<1x200x64xf32, #tpu.memory_space<hbm>>
    %dma_start3A_55 = tpu.memref_squeeze %dma_start3A_54 : memref<1x200x64xf32, #tpu.memory_space<hbm>> -> memref<200x64xf32, #tpu.memory_space<hbm>>
    %dma_start3A_56 = arith.constant 0 : i32
    %dma_start3A_57 = arith.constant 0 : i32
    %dma_start3A_58 = tpu.memref_slice %arg6[%dma_start3A, %dma_start3A_56, %dma_start3A_57] : memref<2x200x64xf32, #tpu.memory_space<vmem>> -> memref<1x200x64xf32, #tpu.memory_space<vmem>>
    %dma_start3A_59 = tpu.memref_squeeze %dma_start3A_58 : memref<1x200x64xf32, #tpu.memory_space<vmem>> -> memref<200x64xf32, #tpu.memory_space<vmem>>
    tpu.enqueue_dma source(%dma_start3A_59 : memref<200x64xf32, #tpu.memory_space<vmem>>) target(%dma_start3A_55 : memref<200x64xf32, #tpu.memory_space<hbm>>) target_semaphore(%dma_start3A_51 : memref<!tpu.dma_semaphore, #tpu.memory_space<semaphore_mem>>)
    %dma_wait3A_60 = arith.constant 0 : i32
    %dma_wait3A_61 = arith.constant 1 : i32
    %dma_wait3A_62 = arith.constant 1 : i32
    %dma_wait3A_63 = arith.constant 0 : i32
    %dma_wait3A_64 = arith.constant 0 : i32
    %dma_wait3A_65 = tpu.memref_slice %arg6[%dma_wait3A_61, %dma_wait3A_63, %dma_wait3A_64] : memref<2x200x64xf32, #tpu.memory_space<vmem>> -> memref<1x200x64xf32, #tpu.memory_space<vmem>>
    %dma_wait3A_66 = tpu.memref_squeeze %dma_wait3A_65 : memref<1x200x64xf32, #tpu.memory_space<vmem>> -> memref<200x64xf32, #tpu.memory_space<vmem>>
    %dma_wait3A_67 = arith.constant 0 : i32
    %dma_wait3A_68 = arith.constant 0 : i32
    %dma_wait3A_69 = tpu.memref_slice %arg2[%dma_wait3A_60, %dma_wait3A_67, %dma_wait3A_68] : memref<1x1000000x64xf32, #tpu.memory_space<hbm>> -> memref<1x200x64xf32, #tpu.memory_space<hbm>>
    %dma_wait3A_70 = tpu.memref_squeeze %dma_wait3A_69 : memref<1x200x64xf32, #tpu.memory_space<hbm>> -> memref<200x64xf32, #tpu.memory_space<hbm>>
    %dma_wait3A_71 = tpu.memref_slice %arg7[%dma_wait3A_62] : memref<2x!tpu.dma_semaphore, #tpu.memory_space<semaphore_mem>> -> memref<1x!tpu.dma_semaphore, #tpu.memory_space<semaphore_mem>>
    %dma_wait3A_72 = tpu.memref_squeeze %dma_wait3A_71 : memref<1x!tpu.dma_semaphore, #tpu.memory_space<semaphore_mem>> -> memref<!tpu.dma_semaphore, #tpu.memory_space<semaphore_mem>>
    %dma_wait3A_73 = arith.constant 0 : i32
    %dma_wait3A_74 = arith.constant 0 : i32
    %dma_wait3A_75 = tpu.memref_slice %arg6[%dma_wait3A_61, %dma_wait3A_73, %dma_wait3A_74] : memref<2x200x64xf32, #tpu.memory_space<vmem>> -> memref<1x200x64xf32, #tpu.memory_space<vmem>>
    %dma_wait3A_76 = tpu.memref_squeeze %dma_wait3A_75 : memref<1x200x64xf32, #tpu.memory_space<vmem>> -> memref<200x64xf32, #tpu.memory_space<vmem>>
    %dma_wait3A_77 = arith.constant 0 : i32
    %dma_wait3A_78 = arith.constant 0 : i32
    %dma_wait3A_79 = tpu.memref_slice %arg2[%dma_wait3A_60, %dma_wait3A_77, %dma_wait3A_78] : memref<1x1000000x64xf32, #tpu.memory_space<hbm>> -> memref<1x200x64xf32, #tpu.memory_space<hbm>>
    %dma_wait3A_80 = tpu.memref_squeeze %dma_wait3A_79 : memref<1x200x64xf32, #tpu.memory_space<hbm>> -> memref<200x64xf32, #tpu.memory_space<hbm>>
    tpu.wait_dma2 semaphore(%dma_wait3A_72 : memref<!tpu.dma_semaphore, #tpu.memory_space<semaphore_mem>>) src(%dma_wait3A_80 : memref<200x64xf32, #tpu.memory_space<hbm>>) dst(%dma_wait3A_76 : memref<200x64xf32, #tpu.memory_space<vmem>>)
    %add3A_81 = arith.constant 127 : i32
    %add3A_82 = arith.addi %mul3A_2, %add3A_81 : i32
    %dma_start3A_83 = arith.constant 1 : i32
    %dma_start3A_84 = arith.constant 1 : i32
    %dma_start3A_85 = arith.constant 0 : i32
    %dma_start3A_86 = arith.constant 0 : i32
    %dma_start3A_87 = tpu.memref_slice %arg6[%dma_start3A_83, %dma_start3A_85, %dma_start3A_86] : memref<2x200x64xf32, #tpu.memory_space<vmem>> -> memref<1x200x64xf32, #tpu.memory_space<vmem>>
    %dma_start3A_88 = tpu.memref_squeeze %dma_start3A_87 : memref<1x200x64xf32, #tpu.memory_space<vmem>> -> memref<200x64xf32, #tpu.memory_space<vmem>>
    %dma_start3A_89 = arith.constant 0 : i32
    %dma_start3A_90 = arith.constant 0 : i32
    %dma_start3A_91 = tpu.memref_slice %arg4[%add3A_82, %dma_start3A_89, %dma_start3A_90] : memref<4096x200x64xf32, #tpu.memory_space<hbm>> -> memref<1x200x64xf32, #tpu.memory_space<hbm>>
    %dma_start3A_92 = tpu.memref_squeeze %dma_start3A_91 : memref<1x200x64xf32, #tpu.memory_space<hbm>> -> memref<200x64xf32, #tpu.memory_space<hbm>>
    %dma_start3A_93 = tpu.memref_slice %arg8[%dma_start3A_84] : memref<2x!tpu.dma_semaphore, #tpu.memory_space<semaphore_mem>> -> memref<1x!tpu.dma_semaphore, #tpu.memory_space<semaphore_mem>>
    %dma_start3A_94 = tpu.memref_squeeze %dma_start3A_93 : memref<1x!tpu.dma_semaphore, #tpu.memory_space<semaphore_mem>> -> memref<!tpu.dma_semaphore, #tpu.memory_space<semaphore_mem>>
    %dma_start3A_95 = arith.constant 0 : i32
    %dma_start3A_96 = arith.constant 0 : i32
    %dma_start3A_97 = tpu.memref_slice %arg4[%add3A_82, %dma_start3A_95, %dma_start3A_96] : memref<4096x200x64xf32, #tpu.memory_space<hbm>> -> memref<1x200x64xf32, #tpu.memory_space<hbm>>
    %dma_start3A_98 = tpu.memref_squeeze %dma_start3A_97 : memref<1x200x64xf32, #tpu.memory_space<hbm>> -> memref<200x64xf32, #tpu.memory_space<hbm>>
    %dma_start3A_99 = arith.constant 0 : i32
    %dma_start3A_100 = arith.constant 0 : i32
    %dma_start3A_101 = tpu.memref_slice %arg6[%dma_start3A_83, %dma_start3A_99, %dma_start3A_100] : memref<2x200x64xf32, #tpu.memory_space<vmem>> -> memref<1x200x64xf32, #tpu.memory_space<vmem>>
    %dma_start3A_102 = tpu.memref_squeeze %dma_start3A_101 : memref<1x200x64xf32, #tpu.memory_space<vmem>> -> memref<200x64xf32, #tpu.memory_space<vmem>>
    tpu.enqueue_dma source(%dma_start3A_102 : memref<200x64xf32, #tpu.memory_space<vmem>>) target(%dma_start3A_98 : memref<200x64xf32, #tpu.memory_space<hbm>>) target_semaphore(%dma_start3A_94 : memref<!tpu.dma_semaphore, #tpu.memory_space<semaphore_mem>>)
    %add3A_103 = arith.constant 126 : i32
    %add3A_104 = arith.addi %mul3A_2, %add3A_103 : i32
    %dma_wait3A_105 = arith.constant 0 : i32
    %dma_wait3A_106 = arith.constant 0 : i32
    %dma_wait3A_107 = arith.constant 0 : i32
    %dma_wait3A_108 = arith.constant 0 : i32
    %dma_wait3A_109 = tpu.memref_slice %arg6[%dma_wait3A_105, %dma_wait3A_107, %dma_wait3A_108] : memref<2x200x64xf32, #tpu.memory_space<vmem>> -> memref<1x200x64xf32, #tpu.memory_space<vmem>>
    %dma_wait3A_110 = tpu.memref_squeeze %dma_wait3A_109 : memref<1x200x64xf32, #tpu.memory_space<vmem>> -> memref<200x64xf32, #tpu.memory_space<vmem>>
    %dma_wait3A_111 = arith.constant 0 : i32
    %dma_wait3A_112 = arith.constant 0 : i32
    %dma_wait3A_113 = tpu.memref_slice %arg4[%add3A_104, %dma_wait3A_111, %dma_wait3A_112] : memref<4096x200x64xf32, #tpu.memory_space<hbm>> -> memref<1x200x64xf32, #tpu.memory_space<hbm>>
    %dma_wait3A_114 = tpu.memref_squeeze %dma_wait3A_113 : memref<1x200x64xf32, #tpu.memory_space<hbm>> -> memref<200x64xf32, #tpu.memory_space<hbm>>
    %dma_wait3A_115 = tpu.memref_slice %arg8[%dma_wait3A_106] : memref<2x!tpu.dma_semaphore, #tpu.memory_space<semaphore_mem>> -> memref<1x!tpu.dma_semaphore, #tpu.memory_space<semaphore_mem>>
    %dma_wait3A_116 = tpu.memref_squeeze %dma_wait3A_115 : memref<1x!tpu.dma_semaphore, #tpu.memory_space<semaphore_mem>> -> memref<!tpu.dma_semaphore, #tpu.memory_space<semaphore_mem>>
    %dma_wait3A_117 = arith.constant 0 : i32
    %dma_wait3A_118 = arith.constant 0 : i32
    %dma_wait3A_119 = tpu.memref_slice %arg4[%add3A_104, %dma_wait3A_117, %dma_wait3A_118] : memref<4096x200x64xf32, #tpu.memory_space<hbm>> -> memref<1x200x64xf32, #tpu.memory_space<hbm>>
    %dma_wait3A_120 = tpu.memref_squeeze %dma_wait3A_119 : memref<1x200x64xf32, #tpu.memory_space<hbm>> -> memref<200x64xf32, #tpu.memory_space<hbm>>
    %dma_wait3A_121 = arith.constant 0 : i32
    %dma_wait3A_122 = arith.constant 0 : i32
    %dma_wait3A_123 = tpu.memref_slice %arg6[%dma_wait3A_105, %dma_wait3A_121, %dma_wait3A_122] : memref<2x200x64xf32, #tpu.memory_space<vmem>> -> memref<1x200x64xf32, #tpu.memory_space<vmem>>
    %dma_wait3A_124 = tpu.memref_squeeze %dma_wait3A_123 : memref<1x200x64xf32, #tpu.memory_space<vmem>> -> memref<200x64xf32, #tpu.memory_space<vmem>>
    tpu.wait_dma2 semaphore(%dma_wait3A_116 : memref<!tpu.dma_semaphore, #tpu.memory_space<semaphore_mem>>) src(%dma_wait3A_124 : memref<200x64xf32, #tpu.memory_space<vmem>>) dst(%dma_wait3A_120 : memref<200x64xf32, #tpu.memory_space<hbm>>)
    %add3A_125 = arith.constant 127 : i32
    %add3A_126 = arith.addi %mul3A_2, %add3A_125 : i32
    %dma_wait3A_127 = arith.constant 1 : i32
    %dma_wait3A_128 = arith.constant 1 : i32
    %dma_wait3A_129 = arith.constant 0 : i32
    %dma_wait3A_130 = arith.constant 0 : i32
    %dma_wait3A_131 = tpu.memref_slice %arg6[%dma_wait3A_127, %dma_wait3A_129, %dma_wait3A_130] : memref<2x200x64xf32, #tpu.memory_space<vmem>> -> memref<1x200x64xf32, #tpu.memory_space<vmem>>
    %dma_wait3A_132 = tpu.memref_squeeze %dma_wait3A_131 : memref<1x200x64xf32, #tpu.memory_space<vmem>> -> memref<200x64xf32, #tpu.memory_space<vmem>>
    %dma_wait3A_133 = arith.constant 0 : i32
    %dma_wait3A_134 = arith.constant 0 : i32
    %dma_wait3A_135 = tpu.memref_slice %arg4[%add3A_126, %dma_wait3A_133, %dma_wait3A_134] : memref<4096x200x64xf32, #tpu.memory_space<hbm>> -> memref<1x200x64xf32, #tpu.memory_space<hbm>>
    %dma_wait3A_136 = tpu.memref_squeeze %dma_wait3A_135 : memref<1x200x64xf32, #tpu.memory_space<hbm>> -> memref<200x64xf32, #tpu.memory_space<hbm>>
    %dma_wait3A_137 = tpu.memref_slice %arg8[%dma_wait3A_128] : memref<2x!tpu.dma_semaphore, #tpu.memory_space<semaphore_mem>> -> memref<1x!tpu.dma_semaphore, #tpu.memory_space<semaphore_mem>>
    %dma_wait3A_138 = tpu.memref_squeeze %dma_wait3A_137 : memref<1x!tpu.dma_semaphore, #tpu.memory_space<semaphore_mem>> -> memref<!tpu.dma_semaphore, #tpu.memory_space<semaphore_mem>>
    %dma_wait3A_139 = arith.constant 0 : i32
    %dma_wait3A_140 = arith.constant 0 : i32
    %dma_wait3A_141 = tpu.memref_slice %arg4[%add3A_126, %dma_wait3A_139, %dma_wait3A_140] : memref<4096x200x64xf32, #tpu.memory_space<hbm>> -> memref<1x200x64xf32, #tpu.memory_space<hbm>>
    %dma_wait3A_142 = tpu.memref_squeeze %dma_wait3A_141 : memref<1x200x64xf32, #tpu.memory_space<hbm>> -> memref<200x64xf32, #tpu.memory_space<hbm>>
    %dma_wait3A_143 = arith.constant 0 : i32
    %dma_wait3A_144 = arith.constant 0 : i32
    %dma_wait3A_145 = tpu.memref_slice %arg6[%dma_wait3A_127, %dma_wait3A_143, %dma_wait3A_144] : memref<2x200x64xf32, #tpu.memory_space<vmem>> -> memref<1x200x64xf32, #tpu.memory_space<vmem>>
    %dma_wait3A_146 = tpu.memref_squeeze %dma_wait3A_145 : memref<1x200x64xf32, #tpu.memory_space<vmem>> -> memref<200x64xf32, #tpu.memory_space<vmem>>
    tpu.wait_dma2 semaphore(%dma_wait3A_138 : memref<!tpu.dma_semaphore, #tpu.memory_space<semaphore_mem>>) src(%dma_wait3A_146 : memref<200x64xf32, #tpu.memory_space<vmem>>) dst(%dma_wait3A_142 : memref<200x64xf32, #tpu.memory_space<hbm>>)
    return
  }
}

</mosaic_0001>

<sc_bundles>
// kernel: kernel.3.cloned.1.call-start
scs
__scs_entry_jumppad:
0x0: {  	(pc) =	sbr.rel $0x88, $3  }
0x1: {  	(tag) =	ssettag $0x0;
	lr =	simm.s32 $0x1  }
0x2: {  	[smem:$0x3F9F] =	sst lr;
	_ =	strace $0xD0000000  }
0x3: {  	_ = 	snop  }
0x4: {  	_ = 	snop  }
0x5: {  	_ = 	snop  }
0x6: {  	_ = 	snop  }
0x7: {  	_ = 	snop  }
__scs_overlays_trampoline_lowered:
0x8: {  	[smem:$0x3FAE] =	sst s0  }
0x9: {  	[smem:$0x3FAF] =	sst s1  }
0xa: {  	[smem:$0x3FB0] =	sst s2  }
0xb: {  	[smem:$0x3FB1] =	sst s3  }
0xc: {  	[smem:$0x3FB2] =	sst s4  }
0xd: {  	[smem:$0x3FB3] =	sst s5  }
0xe: {  	[smem:$0x3FB4] =	sst s6  }
0xf: {  	[smem:$0x3FB5] =	sst s7  }
0x10: {  	[smem:$0x3FB6] =	sst s8  }
0x11: {  	[smem:$0x3FB7] =	sst s9;
	s0 =	simm.s32 @!p0 $0x0  }
0x12: {  	s1 =	sld [smem:$0x3F9D];
	s0 =	simm.s32 @p0 $0x1  }
0x13: {  	[smem:$0x3FB8] =	sst s0;
	s0 =	simm.s32 @!p1 $0x0  }
0x14: {  	s2 =	sld [smem:$0x3F9C];
	s0 =	simm.s32 @p1 $0x1  }
0x15: {  	[smem:$0x3FB9] =	sst s0;
	s0 =	simm.s32 @!p2 $0x0  }
0x16: {  	s3 =	sld [smem:$0x3FDB];
	s0 =	simm.s32 @p2 $0x1  }
0x17: {  	s4 =	simm.s32 $0x1BF5;
	[smem:$0x3FBB] =	sst s0  }
0x18: {  	s0 =	sld [smem:$0x3F9E];
	_ =	swait.ge [sflag:s4], $0x0  }
0x19: {  	s7 =	sld [smem:$0x3F9F]  }
0x1a: {  	s8 =	sadd.s32 $0xFFFFE003, lr  }
0x1b: {  	s9 =	sadd.s32 $0xFFFFFEF7, lr;
	s5 =	simm.s32 $0xFFFFFFFF;
	p2 =	slt.u32 s8, $0xFFFFF086  }
0x1c: {  	p1 =	slt.u32 s9, $0xF7A;
	s5 =	simm.s32 @!p2 $0x0  }
0x1d: {  	s5 =	simm.s32 @p1 $0x1;
	p0 =	seq.s32 s7, s2  }
0x1e: {  	s7 =	smul.u32 @!p0 $0xF7A, s2;
	p2 =	seq.s32 @!p0 s5, $0x0  }
0x1f: {  	s9 =	smul.u32 $0xF7A, s1;
	s8 =	simm.s32 @!p0 $0x1BF5;
	p2 =	por !p2, p0  }
0x20: {  	[sflag:s8] =	ssyncset.s32 @!p0 $0xFFFFF086;
	s6 =	sadd.s32 @!p0 s3, s7;
	s7 =	simm.s32 @!p0 $0x108  }
0x21: {  	s3 =	sadd.s32 s3, s9;
	s6 =	sadd.s32 @!p0 $0x88, s6;
	s7 =	simm.s32 @p2 $0x1082  }
0x22: {  	[simem:s7], [sflag:s8] =	dma.local @!p0 [hbm:s6], $0xF7A  }
0x23: {  	s9 =	sor.u32 $0xD0000000, s2;
	s6 =	simm.s32 $0x108;
	_ =	swait.ge @!p0 [sflag:s8], $0x0  }
0x24: {  	s3 =	sadd.s32 $0x88, s3;
	s6 =	simm.s32 @!p1 $0x1082;
	[sflag:s4] =	ssyncset.s32 $0xFFFFF086  }
0x25: {  	[simem:s6], [sflag:s4] =	dma.local [hbm:s3], $0xF7A  }
0x26: {  	[smem:$0x3F9F] =	sst s1;
	(tag) =	ssettag s2;
	_ =	strace s9  }
0x27: {  	s1 =	sld [smem:$0x3FAF]  }
0x28: {  	s2 =	sld [smem:$0x3FB0]  }
0x29: {  	s4 =	sld [smem:$0x3FB2]  }
0x2a: {  	p0 =	seq.s32 s5, $0x0;
	s5 =	sld [smem:$0x3FB3]  }
0x2b: {  	s6 =	sld [smem:$0x3FB4]  }
0x2c: {  	s7 =	sld [smem:$0x3FB5]  }
0x2d: {  	s3 =	simm.s32 $0x108;
	s8 =	sld [smem:$0x3FB6]  }
0x2e: {  	s3 =	simm.s32 @!p0 $0x1082;
	s9 =	sld [smem:$0x3FB7]  }
0x2f: {  	lr =	sadd.s32 s0, s3;
	s0 =	sld [smem:$0x3FAE]  }
0x30: {  	s3 =	sld [smem:$0x3FB1]  }
0x31: {  	[smem:$0x3FBA] =	sst s10  }
0x32: {  	s10 =	sld [smem:$0x3FB8];
	_ =	sdelay $0x3  }
0x33: {  	p0 =	seq.s32 s10, $0x1;
	s10 =	sld [smem:$0x3FBA];
	_ =	sdelay $0x3  }
0x34: {  	[smem:$0x3FBA] =	sst s10  }
0x35: {  	s10 =	sld [smem:$0x3FB9];
	_ =	sdelay $0x3  }
0x36: {  	p1 =	seq.s32 s10, $0x1;
	s10 =	sld [smem:$0x3FBA];
	_ =	sdelay $0x3  }
0x37: {  	[smem:$0x3FBA] =	sst s10  }
0x38: {  	s10 =	sld [smem:$0x3FBB]  }
0x39: {  	_ = 	snop;
	(pc) =	sbr.ind lr, $3  }
0x3a: {  	_ = 	snop  }
0x3b: {  	_ = 	snop  }
0x3c: {  	p2 =	seq.s32 s10, $0x1;
	s10 =	sld [smem:$0x3FBA]  }
0x3d: {  	_ =	shalt  }
0x3e: {  	_ =	shalt  }
0x3f: {  	_ =	shalt  }
0x40: {  	_ =	shalt  }
0x41: {  	_ =	shalt  }
0x42: {  	_ =	shalt  }
0x43: {  	_ =	shalt  }
0x44: {  	_ =	shalt  }
0x45: {  	_ =	shalt  }
0x46: {  	_ =	shalt  }
0x47: {  	_ =	shalt  }
0x48: {  	_ =	shalt  }
0x49: {  	_ =	shalt  }
0x4a: {  	_ =	shalt  }
0x4b: {  	_ =	shalt  }
0x4c: {  	_ =	shalt  }
0x4d: {  	_ =	shalt  }
0x4e: {  	_ =	shalt  }
0x4f: {  	_ =	shalt  }
0x50: {  	_ =	shalt  }
0x51: {  	_ =	shalt  }
0x52: {  	_ =	shalt  }
0x53: {  	_ =	shalt  }
0x54: {  	_ =	shalt  }
0x55: {  	_ =	shalt  }
0x56: {  	_ =	shalt  }
0x57: {  	_ =	shalt  }
0x58: {  	_ =	shalt  }
0x59: {  	_ =	shalt  }
0x5a: {  	_ =	shalt  }
0x5b: {  	_ =	shalt  }
0x5c: {  	_ =	shalt  }
0x5d: {  	_ =	shalt  }
0x5e: {  	_ =	shalt  }
0x5f: {  	_ =	shalt  }
0x60: {  	_ =	shalt  }
0x61: {  	_ =	shalt  }
0x62: {  	_ =	shalt  }
0x63: {  	_ =	shalt  }
0x64: {  	_ =	shalt  }
0x65: {  	_ =	shalt  }
0x66: {  	_ =	shalt  }
0x67: {  	_ =	shalt  }
0x68: {  	_ =	shalt  }
0x69: {  	_ =	shalt  }
0x6a: {  	_ =	shalt  }
0x6b: {  	_ =	shalt  }
0x6c: {  	_ =	shalt  }
0x6d: {  	_ =	shalt  }
0x6e: {  	_ =	shalt  }
0x6f: {  	_ =	shalt  }
0x70: {  	_ =	shalt  }
0x71: {  	_ =	shalt  }
0x72: {  	_ =	shalt  }
0x73: {  	_ =	shalt  }
0x74: {  	_ =	shalt  }
0x75: {  	_ =	shalt  }
0x76: {  	_ =	shalt  }
0x77: {  	_ =	shalt  }
0x78: {  	_ =	shalt  }
0x79: {  	_ =	shalt  }
0x7a: {  	_ =	shalt  }
0x7b: {  	_ =	shalt  }
0x7c: {  	_ =	shalt  }
0x7d: {  	_ =	shalt  }
0x7e: {  	_ =	shalt  }
0x7f: {  	_ =	shalt  }
0x80: {  	_ =	shalt  }
0x81: {  	_ =	shalt  }
0x82: {  	_ =	shalt  }
0x83: {  	_ =	shalt  }
0x84: {  	_ =	shalt  }
0x85: {  	_ =	shalt  }
0x86: {  	_ =	shalt  }
0x87: {  	_ =	shalt  }
.Lfunc_end0:
.L_simem_size_0:
called_computation.1_lowered:
.L_overlay_start_0:
0x88: {  	s2 =	sld [smem:$0x3FD9]  }
0x89: {  	s3 =	sld [smem:$0x3FFE];
	_ =	sdelay $0x1  }
0x8a: {  	s1 =	srdreg.scid  }
0x8b: {  	s0 =	sand.u32 $0x1, s1  }
0x8c: {  	s17 =	sshll.u32 s0, $0xA;
	s2 =	sadd.s32 s3, s2  }
0x8d: {  	s2 =	sadd.s32 s2, s17  }
0x8e: {  	[smem:$0x3FC6] =	sst s2  }
0x8f: {  	_ = 	snop  }
0x90: {  	s2 =	sld [smem:$0x3FD0];
	(tm) =	ssettm $0x1  }
0x91: {  	s18 =	sld [smem:$0x3FFB];
	_ =	sdelay $0x3  }
0x92: {  	_ =	strace s18  }
0x93: {  	s3 =	sld [smem:$0x3FFC];
	_ =	sdelay $0x3  }
0x94: {  	_ =	strace s3  }
0x95: {  	s3 =	sld [smem:$0x3FFD];
	_ =	sdelay $0x3  }
0x96: {  	_ =	strace s3  }
0x97: {  	_ =	strace $0x8FFFFFFF  }
0x98: {  	s19 =	sld [smem:$0x3FDB];
	_ =	sdelay $0x1  }
0x99: {  	s4 =	simm.s32 $_scs_section_size  }
0x9a: {  	s5 =	simm.s32 $_size__tile_overlayer_lowered;
	s6 =	simm.s32 $_tile_overlayer_lowered  }
0x9b: {  	s22 =	simm.s32 $0x1BFF;
	s21 =	sshll.u32 s6, $0x1;
	s3 =	sadd.s32 s4, s19  }
0x9c: {  	s7 =	simm.s32 $0x0;
	s20 =	sshll.u32 s5, $0x1;
	s5 =	sadd.s32 s21, s3  }
0x9d: {  	[timem:s7], [sflag:s22] =	dma.local [hbm:s5], s20  }
0x9e: {  	_ =	swait.ge [sflag:s22], s20  }
0x9f: {  	s4 =	ssub.s32 $0x0, s20;
	[sflag:s22] =	ssyncset.done $0x0  }
0xa0: {  	[sflag:s22] =	ssyncadd.s32 s4;
	_ =	sdelay $0x1  }
0xa1: {  	s23 =	simm.s32 $0x1B8B  }
0xa2: {  	_ =	swait.ge [sflag:s23], $0x1  }
0xa3: {  	[sflag:s23] =	ssyncset.done $0x0  }
0xa4: {  	s25 =	simm.s32 $0x1B8E;
	s24 =	sld [smem:$0x3FFE];
	[sflag:s23] =	ssyncadd.s32 $0xFFFFFFFF  }
0xa5: {  	s26 =	simm.s32 $execute0_lowered;
	[smem:$0x3FD2] =	sst s25  }
0xa6: {  	s5 =	sshll.u32 s26, $0x1;
	_ =	strace $0x80000046;
	[dreg:$0x1] =	wrdreg $0xFFFFFFFF  }
0xa7: {  	s28 =	simm.s32 $_size_execute0_lowered;
	s3 =	sadd.s32 s3, s5;
	[dreg:$0x0] =	wrdreg $0x0  }
0xa8: {  	s5 =	sshll.u32 s28, $0x1;
	[dreg:$0x2] =	wrdreg s3  }
0xa9: {  	[dreg:$0x3] =	wrdreg s5  }
0xaa: {  	[dreg:$0x4] =	wrdreg $0xC0  }
0xab: {  	_ =	task [dreg:s7], $0x5FFFF  }
0xac: {  	[dreg:$0x1] =	wrdreg $0xFFFFFFFF  }
0xad: {  	[dreg:$0x0] =	wrdreg $0x60  }
0xae: {  	[dreg:$0x2] =	wrdreg s24  }
0xaf: {  	[dreg:$0x3] =	wrdreg s2  }
0xb0: {  	[dreg:$0x4] =	wrdreg $0x9  }
0xb1: {  	_ =	task.clear_ibuf [dreg:s7], $0x5FFFF;
	_ =	strace $0x90000046  }
0xb2: {  	s29 =	simm.s32 $0x9;
	_ =	strace $0x80000048  }
0xb3: {  	_ =	swait.ge [sflag:s29], $0x1  }
0xb4: {  	[sflag:s29] =	ssyncadd.s32 $0xFFFFFFFF  }
0xb5: {  	_ =	strace $0x90000048  }
0xb6: {  	_ =	sfence  }
0xb7: {  	s30 =	sld [smem:$0x0];
	_ =	sdelay $0x2  }
0xb8: {  	s31 =	sshll.u32 s1, $0xD;
	s1 =	sshrl.u32 s1, $0x2  }
0xb9: {  	s3 =	sand.u32 $0x4000, s31;
	s1 =	sadd.s32 s1, s30  }
0xba: {  	s0 =	sor.u32 s3, s0;
	s1 =	sshll.u32 s1, $0x11  }
0xbb: {  	s0 =	sor.u32 s1, s0  }
0xbc: {  	s0 =	sadd.s32 $0x8F2B, s0  }
0xbd: {  	[sflag:s0] =	ssyncadd.remote.s32 $0x1  }
0xbe: {  	_ =	sfence.sel $0xFFFF  }
0xbf: {  	[dreg:$0x0] =	wrdreg $0xFFFFFFFF;
	(pc) =	sbr.abs _section_cstart, $3  }
0xc0: {  	[dreg:$0x1] =	wrdreg $0xFFFFFFFF  }
0xc1: {  	_ =	task.clear_ibuf [dreg:s7], $0x2FFFF;
	_ =	strace $0x9FFFFFFF  }
0xc2: {  	(tm) =	ssettm $0x7FFFFFFF  }
0xc3: {  	_ =	shalt  }
tec
execute0_lowered:
.L_overlay_start_1:
0x0: {  	(tag) =	ssettag $0x1  }
0x1: {  	s4 =	rddreg [dreg:$0x0]  }
0x2: {  	s6 =	rddreg [dreg:$0x1];
	s3 =	srdreg.scid  }
0x3: {  	s0 =	stileid.u32;
	s2 =	simm.s32 $0x0;
	s11 =	simm.s32 $0x1  }
0x4: {  	s12 =	simm.s32 $0x6480;
	s13 =	simm.s32 $0x2;
	s14 =	simm.s32 $0xC880  }
0x5: {  	s15 =	simm.s32 $0x3;
	s5 =	sand.u32 $0x1, s3;
	s30 =	sshll.u32 s0, $0x1  }
0x6: {  	s16 =	simm.s32 $0x4;
	s17 =	simm.s32 $0x0;
	s7 =	sor.u32 s5, s30  }
0x7: {  	[smem:$0x7FF] =	sst s2;
	s5 =	ssub.s32 $0x2, s5;
	s8 =	smul.u32 $0x320000, s7  }
0x8: {  	s3 =	sadd.s32 $0x800, s4;
	s9 =	sshrl.u32 s5, $0x1;
	s10 =	smul.u32 $0xC80, s7  }
0x9: {  	s4 =	sadd.s32 $0xF42C00, s4;
	_ =	strace $0x80000047;
	s9 =	ssub.s32 s5, s9  }
0xa: {  	s5 =	sshll.u32 s7, $0x7;
	s8 =	sshrl.u32 s8, $0x3;
	s31 =	sadd.s32 s6, s10  }
0xb: {  	s9 =	smax.u32 s9, $0x1;
	s10 =	simm.s32 $0x5;
	s8 =	sadd.s32 s4, s8  }
0xc: {  	[dreg:$0x3] =	wrdreg s31;
	s7 =	sadd.s32 $0x62700, s8;
	s8 =	sadd.s32 $0x63380, s8  }
.LBB2_1:
0xd: {  	s0 =	rddreg [dreg:$0x3]  }
0xe: {  	[tilespmem:s2], [sflag:$0x5] =	stream.linear.gather [hbm4b:s0+s2], $0x6400, $0x38;
	[tilespmem:$0x12C80] =	vst v63  }
0xf: {  	_ =	swait.ge [sflag:s10], $0x6400  }
0x10: {  	[sflag:s10] =	ssyncset.done $0x0  }
0x11: {  	[sflag:s10] =	ssyncadd.s32 $0xFFFF9C00  }
0x12: {  	v0 =	vld [tilespmem:s2+$0x0];
	_ =	sdelay $0x4  }
0x13: {  	v0 =	vshll.u32 v0, $0x4  }
0x14: {  	(v2sf) =	vpush v0, $0x1;
	_ =	sdelay $0x1  }
0x15: {  	(v2sf) =	vpush v0, $0x0  }
0x16: {  	(v2sf) =	vpush v0, $0x2;
	_ =	sdelay $0x2  }
0x17: {  	(v2sf) =	vpush v0, $0x3;
	_ =	sdelay $0x1  }
0x18: {  	(v2sf) =	vpush v0, $0x4;
	_ =	sdelay $0x1  }
0x19: {  	(v2sf) =	vpush v0, $0x5;
	_ =	sdelay $0x1  }
0x1a: {  	(v2sf) =	vpush v0, $0x6  }
0x1b: {  	s20 =	simm.s32 $0x1000;
	s19 =	simm.s32 $0x0  }
0x1c: {  	s24 =	simm.s32 $0x6480;
	s23 =	simm.s32 $0x6500;
	s21 =	simm.s32 $0x6800;
	(v2sf) =	vpush v0, $0x7  }
0x1d: {  	s22 =	simm.s32 $0x8;
	s18 =	simm.s32 $0x0;
	s25 =	spop (v2sf)  }
.LBB2_2:
0x1e: {  	s26 =	sadd.s32 $0x6680, s19  }
0x1f: {  	s28 =	sadd.s32 $0x6700, s19;
	s29 =	spop (v2sf);
	s30 =	smov.u32 s20  }
0x20: {  	s31 =	sadd.s32 $0x6600, s19;
	s29 =	sand.u32 $0x1FFFFFF0, s29;
	s0 =	spop (v2sf)  }
0x21: {  	s25 =	sand.u32 $0x1FFFFFF0, s25;
	s29 =	sadd.s32 s3, s29;
	s0 =	sand.u32 $0x1FFFFFF0, s0  }
0x22: {  	[tilespmem:s24], [sflag:$0x1] =	stream.linear.gather [hbm4b:s29+s18], $0x80, $0x38;
	[tilespmem:$0x12C80] =	vst v63  }
0x23: {  	s24 =	sadd.s32 s3, s25;
	s0 =	sadd.s32 s3, s0;
	s25 =	spop (v2sf)  }
0x24: {  	[tilespmem:s23], [sflag:$0x1] =	stream.linear.gather [hbm4b:s24+s18], $0x80, $0x38;
	[tilespmem:$0x12C80] =	vst v63  }
0x25: {  	s23 =	sadd.s32 $0x6580, s19;
	s24 =	sand.u32 $0x1FFFFFF0, s25;
	s25 =	spop (v2sf)  }
0x26: {  	[tilespmem:s23], [sflag:$0x1] =	stream.linear.gather [hbm4b:s0+s18], $0x80, $0x38;
	[tilespmem:$0x12C80] =	vst v63  }
0x27: {  	s0 =	sadd.s32 s3, s24;
	s23 =	sand.u32 $0x1FFFFFF0, s25;
	s24 =	spop (v2sf)  }
0x28: {  	[tilespmem:s31], [sflag:$0x1] =	stream.linear.gather [hbm4b:s0+s18], $0x80, $0x38;
	[tilespmem:$0x12C80] =	vst v63  }
0x29: {  	s0 =	sadd.s32 s3, s23;
	s23 =	sand.u32 $0x1FFFFFF0, s24;
	s24 =	spop (v2sf)  }
0x2a: {  	[tilespmem:s26], [sflag:$0x1] =	stream.linear.gather [hbm4b:s0+s18], $0x80, $0x38;
	[tilespmem:$0x12C80] =	vst v63  }
0x2b: {  	s0 =	sadd.s32 s3, s23;
	s23 =	sand.u32 $0x1FFFFFF0, s24;
	s24 =	spop (v2sf)  }
0x2c: {  	[tilespmem:s28], [sflag:$0x1] =	stream.linear.gather [hbm4b:s0+s18], $0x80, $0x38;
	[tilespmem:$0x12C80] =	vst v63  }
0x2d: {  	s0 =	sadd.s32 $0x6780, s19;
	s19 =	sadd.s32 s3, s23;
	s23 =	sand.u32 $0x1FFFFFF0, s24  }
0x2e: {  	[tilespmem:s0], [sflag:$0x1] =	stream.linear.gather [hbm4b:s19+s18], $0x80, $0x38;
	[tilespmem:$0x12C80] =	vst v63  }
0x2f: {  	p0 =	sne.s32 s20, $0x18000;
	s20 =	sadd.s32 $0x1000, s20;
	s0 =	sadd.s32 s3, s23  }
0x30: {  	[tilespmem:s21], [sflag:$0x1] =	stream.linear.gather [hbm4b:s0+s18], $0x80, $0x38;
	[tilespmem:$0x12C80] =	vst v63  }
0x31: {  	v0 =	vld [tilespmem:s22+$0x0];
	_ =	sdelay $0x4  }
0x32: {  	v0 =	vshll.u32 v0, $0x4  }
0x33: {  	s19 =	sshra.s32 s30, $0x2;
	(v2sf) =	vpush v0, $0x1  }
0x34: {  	(v2sf) =	vpush v0, $0x0  }
0x35: {  	s24 =	sadd.s32 $0x6480, s19;
	s23 =	sadd.s32 $0x6500, s19;
	(v2sf) =	vpush v0, $0x2;
	_ =	sdelay $0x2  }
0x36: {  	(v2sf) =	vpush v0, $0x3;
	_ =	sdelay $0x1  }
0x37: {  	(v2sf) =	vpush v0, $0x4;
	_ =	sdelay $0x1  }
0x38: {  	(v2sf) =	vpush v0, $0x5;
	_ =	sdelay $0x1  }
.Ltmp0:
0x39: {  	(v2sf) =	vpush v0, $0x6;
	(pc) =	sbr.rel @p0 .LBB2_2-.Ltmp0, $4  }
0x3a: {  	_ = 	snop  }
0x3b: {  	(v2sf) =	vpush v0, $0x7  }
0x3c: {  	s18 =	simm.s32 $0x0  }
0x3d: {  	s21 =	sadd.s32 $0x6800, s19;
	s22 =	sadd.s32 $0x8, s22;
	s25 =	spop (v2sf)  }
0x3e: {  	s0 =	sadd.s32 $0x6680, s19;
	s20 =	sadd.s32 $0x6700, s19;
	s22 =	spop (v2sf)  }
0x3f: {  	s26 =	sadd.s32 $0x6600, s19;
	s25 =	sand.u32 $0x1FFFFFF0, s25;
	s22 =	sand.u32 $0x1FFFFFF0, s22  }
0x40: {  	s31 =	sadd.s32 $0x6580, s19;
	s28 =	spop (v2sf);
	s22 =	sadd.s32 s3, s22  }
0x41: {  	[tilespmem:s24], [sflag:$0x1] =	stream.linear.gather [hbm4b:s22+s18], $0x80, $0x38;
	[tilespmem:$0x12C80] =	vst v63  }
0x42: {  	s25 =	sadd.s32 s3, s25;
	s28 =	sand.u32 $0x1FFFFFF0, s28;
	s30 =	spop (v2sf)  }
0x43: {  	[tilespmem:s23], [sflag:$0x1] =	stream.linear.gather [hbm4b:s25+s18], $0x80, $0x38;
	[tilespmem:$0x12C80] =	vst v63  }
0x44: {  	s29 =	sadd.s32 s3, s28;
	s1 =	sand.u32 $0x1FFFFFF0, s30;
	s6 =	spop (v2sf)  }
0x45: {  	[tilespmem:s31], [sflag:$0x1] =	stream.linear.gather [hbm4b:s29+s18], $0x80, $0x38;
	[tilespmem:$0x12C80] =	vst v63  }
0x46: {  	s28 =	sadd.s32 s3, s1;
	s29 =	sand.u32 $0x1FFFFFF0, s6;
	s30 =	spop (v2sf)  }
0x47: {  	[tilespmem:s26], [sflag:$0x1] =	stream.linear.gather [hbm4b:s28+s18], $0x80, $0x38;
	[tilespmem:$0x12C80] =	vst v63  }
0x48: {  	s31 =	sadd.s32 s3, s29;
	s1 =	sand.u32 $0x1FFFFFF0, s30;
	s6 =	spop (v2sf)  }
0x49: {  	[tilespmem:s0], [sflag:$0x1] =	stream.linear.gather [hbm4b:s31+s18], $0x80, $0x38;
	[tilespmem:$0x12C80] =	vst v63  }
0x4a: {  	s23 =	sadd.s32 s3, s1;
	s24 =	sand.u32 $0x1FFFFFF0, s6;
	s25 =	spop (v2sf)  }
0x4b: {  	[tilespmem:s20], [sflag:$0x1] =	stream.linear.gather [hbm4b:s23+s18], $0x80, $0x38;
	[tilespmem:$0x12C80] =	vst v63  }
0x4c: {  	s26 =	sadd.s32 $0x6780, s19;
	s28 =	sadd.s32 s3, s24;
	s29 =	sand.u32 $0x1FFFFFF0, s25  }
0x4d: {  	[tilespmem:s26], [sflag:$0x1] =	stream.linear.gather [hbm4b:s28+s18], $0x80, $0x38;
	[tilespmem:$0x12C80] =	vst v63  }
0x4e: {  	s31 =	simm.s32 $0xC8;
	s30 =	sadd.s32 s3, s29  }
0x4f: {  	[tilespmem:s21], [sflag:$0x1] =	stream.linear.gather [hbm4b:s30+s18], $0x80, $0x38;
	[tilespmem:$0x12C80] =	vst v63  }
0x50: {  	v0 =	vld [tilespmem:s31+$0x0];
	_ =	sdelay $0x4  }
0x51: {  	v0 =	vshll.u32 v0, $0x4  }
0x52: {  	(v2sf) =	vpush v0, $0x1;
	_ =	sdelay $0x1  }
0x53: {  	(v2sf) =	vpush v0, $0x0  }
0x54: {  	(v2sf) =	vpush v0, $0x2;
	_ =	sdelay $0x2  }
0x55: {  	(v2sf) =	vpush v0, $0x3;
	_ =	sdelay $0x1  }
0x56: {  	(v2sf) =	vpush v0, $0x4;
	_ =	sdelay $0x1  }
0x57: {  	(v2sf) =	vpush v0, $0x5;
	_ =	sdelay $0x1  }
0x58: {  	(v2sf) =	vpush v0, $0x6  }
0x59: {  	s22 =	simm.s32 $0xD0  }
0x5a: {  	s19 =	simm.s32 $0x0;
	s24 =	simm.s32 $0xC880;
	s20 =	simm.s32 $0x1000;
	(v2sf) =	vpush v0, $0x7  }
0x5b: {  	s23 =	simm.s32 $0xC900;
	s21 =	simm.s32 $0xCC00;
	s25 =	spop (v2sf)  }
.LBB2_4:
0x5c: {  	s0 =	sadd.s32 $0xCA80, s19  }
0x5d: {  	s26 =	sadd.s32 $0xCB00, s19;
	s28 =	spop (v2sf);
	s29 =	smov.u32 s20  }
0x5e: {  	s30 =	sadd.s32 $0xCA00, s19;
	s28 =	sand.u32 $0x1FFFFFF0, s28;
	s31 =	spop (v2sf)  }
0x5f: {  	s25 =	sand.u32 $0x1FFFFFF0, s25;
	s28 =	sadd.s32 s3, s28;
	s31 =	sand.u32 $0x1FFFFFF0, s31  }
0x60: {  	[tilespmem:s24], [sflag:$0x2] =	stream.linear.gather [hbm4b:s28+s18], $0x80, $0x38;
	[tilespmem:$0x12C80] =	vst v63  }
0x61: {  	s24 =	sadd.s32 s3, s25;
	s25 =	sadd.s32 s3, s31;
	s28 =	spop (v2sf)  }
0x62: {  	[tilespmem:s23], [sflag:$0x2] =	stream.linear.gather [hbm4b:s24+s18], $0x80, $0x38;
	[tilespmem:$0x12C80] =	vst v63  }
0x63: {  	s23 =	sadd.s32 $0xC980, s19;
	s24 =	sand.u32 $0x1FFFFFF0, s28;
	s28 =	spop (v2sf)  }
0x64: {  	[tilespmem:s23], [sflag:$0x2] =	stream.linear.gather [hbm4b:s25+s18], $0x80, $0x38;
	[tilespmem:$0x12C80] =	vst v63  }
0x65: {  	s23 =	sadd.s32 s3, s24;
	s24 =	sand.u32 $0x1FFFFFF0, s28;
	s25 =	spop (v2sf)  }
0x66: {  	[tilespmem:s30], [sflag:$0x2] =	stream.linear.gather [hbm4b:s23+s18], $0x80, $0x38;
	[tilespmem:$0x12C80] =	vst v63  }
0x67: {  	s23 =	sadd.s32 s3, s24;
	s24 =	sand.u32 $0x1FFFFFF0, s25;
	s25 =	spop (v2sf)  }
0x68: {  	[tilespmem:s0], [sflag:$0x2] =	stream.linear.gather [hbm4b:s23+s18], $0x80, $0x38;
	[tilespmem:$0x12C80] =	vst v63  }
0x69: {  	s0 =	sadd.s32 s3, s24;
	s23 =	sand.u32 $0x1FFFFFF0, s25;
	s24 =	spop (v2sf)  }
0x6a: {  	[tilespmem:s26], [sflag:$0x2] =	stream.linear.gather [hbm4b:s0+s18], $0x80, $0x38;
	[tilespmem:$0x12C80] =	vst v63  }
0x6b: {  	s0 =	sadd.s32 $0xCB80, s19;
	s19 =	sadd.s32 s3, s23;
	s23 =	sand.u32 $0x1FFFFFF0, s24  }
0x6c: {  	[tilespmem:s0], [sflag:$0x2] =	stream.linear.gather [hbm4b:s19+s18], $0x80, $0x38;
	[tilespmem:$0x12C80] =	vst v63  }
0x6d: {  	p0 =	sne.s32 s20, $0x18000;
	s20 =	sadd.s32 $0x1000, s20;
	s0 =	sadd.s32 s3, s23  }
0x6e: {  	[tilespmem:s21], [sflag:$0x2] =	stream.linear.gather [hbm4b:s0+s18], $0x80, $0x38;
	[tilespmem:$0x12C80] =	vst v63  }
0x6f: {  	v0 =	vld [tilespmem:s22+$0x0];
	_ =	sdelay $0x4  }
0x70: {  	v0 =	vshll.u32 v0, $0x4  }
0x71: {  	s19 =	sshra.s32 s29, $0x2;
	(v2sf) =	vpush v0, $0x1  }
0x72: {  	(v2sf) =	vpush v0, $0x0  }
0x73: {  	s24 =	sadd.s32 $0xC880, s19;
	s23 =	sadd.s32 $0xC900, s19;
	(v2sf) =	vpush v0, $0x2;
	_ =	sdelay $0x2  }
0x74: {  	(v2sf) =	vpush v0, $0x3;
	_ =	sdelay $0x1  }
0x75: {  	(v2sf) =	vpush v0, $0x4;
	_ =	sdelay $0x1  }
0x76: {  	(v2sf) =	vpush v0, $0x5;
	_ =	sdelay $0x1  }
.Ltmp1:
0x77: {  	(v2sf) =	vpush v0, $0x6;
	(pc) =	sbr.rel @p0 .LBB2_4-.Ltmp1, $3  }
0x78: {  	_ = 	snop  }
0x79: {  	(v2sf) =	vpush v0, $0x7;
	_ =	sdelay $0x1  }
0x7a: {  	s21 =	sadd.s32 $0xCC00, s19;
	s22 =	sadd.s32 $0x8, s22;
	s25 =	spop (v2sf)  }
0x7b: {  	s0 =	sadd.s32 $0xCA80, s19;
	s20 =	sadd.s32 $0xCB00, s19;
	s22 =	spop (v2sf)  }
0x7c: {  	s26 =	sadd.s32 $0xCA00, s19;
	s25 =	sand.u32 $0x1FFFFFF0, s25;
	s22 =	sand.u32 $0x1FFFFFF0, s22  }
0x7d: {  	s31 =	sadd.s32 $0xC980, s19;
	s28 =	spop (v2sf);
	s22 =	sadd.s32 s3, s22  }
0x7e: {  	[tilespmem:s24], [sflag:$0x2] =	stream.linear.gather [hbm4b:s22+s18], $0x80, $0x38;
	[tilespmem:$0x12C80] =	vst v63  }
0x7f: {  	s25 =	sadd.s32 s3, s25;
	s28 =	sand.u32 $0x1FFFFFF0, s28;
	s30 =	spop (v2sf)  }
0x80: {  	[tilespmem:s23], [sflag:$0x2] =	stream.linear.gather [hbm4b:s25+s18], $0x80, $0x38;
	[tilespmem:$0x12C80] =	vst v63  }
0x81: {  	s29 =	sadd.s32 s3, s28;
	s1 =	sand.u32 $0x1FFFFFF0, s30;
	s6 =	spop (v2sf)  }
0x82: {  	[tilespmem:s31], [sflag:$0x2] =	stream.linear.gather [hbm4b:s29+s18], $0x80, $0x38;
	[tilespmem:$0x12C80] =	vst v63  }
0x83: {  	s28 =	sadd.s32 s3, s1;
	s29 =	sand.u32 $0x1FFFFFF0, s6;
	s30 =	spop (v2sf)  }
0x84: {  	[tilespmem:s26], [sflag:$0x2] =	stream.linear.gather [hbm4b:s28+s18], $0x80, $0x38;
	[tilespmem:$0x12C80] =	vst v63  }
0x85: {  	s31 =	sadd.s32 s3, s29;
	s1 =	sand.u32 $0x1FFFFFF0, s30;
	s6 =	spop (v2sf)  }
0x86: {  	[tilespmem:s0], [sflag:$0x2] =	stream.linear.gather [hbm4b:s31+s18], $0x80, $0x38;
	[tilespmem:$0x12C80] =	vst v63  }
0x87: {  	s23 =	sadd.s32 s3, s1;
	s25 =	sand.u32 $0x1FFFFFF0, s6;
	s26 =	spop (v2sf)  }
0x88: {  	[tilespmem:s20], [sflag:$0x2] =	stream.linear.gather [hbm4b:s23+s18], $0x80, $0x38;
	[tilespmem:$0x12C80] =	vst v63  }
0x89: {  	s28 =	sadd.s32 $0xCB80, s19;
	s29 =	sadd.s32 s3, s25;
	s30 =	sand.u32 $0x1FFFFFF0, s26  }
0x8a: {  	[tilespmem:s28], [sflag:$0x2] =	stream.linear.gather [hbm4b:s29+s18], $0x80, $0x38;
	[tilespmem:$0x12C80] =	vst v63  }
0x8b: {  	s19 =	simm.s32 $0x190;
	s20 =	simm.s32 $0x258;
	s31 =	sadd.s32 s3, s30  }
0x8c: {  	[tilespmem:s21], [sflag:$0x2] =	stream.linear.gather [hbm4b:s31+s18], $0x80, $0x38;
	[tilespmem:$0x12C80] =	vst v63  }
.LBB2_6:
0x8d: {  	s0 =	sshll.u32 s18, $0x1  }
0x8e: {  	s0 =	sadd.s32 s5, s0  }
0x8f: {  	_ =	swait.ge [sflag:s11], $0x6400;
	s0 =	smul.u32 $0xC80, s0  }
0x90: {  	[sflag:s11] =	ssyncset.done $0x0  }
0x91: {  	s21 =	simm.s32 $0x0;
	[sflag:s11] =	ssyncadd.s32 $0xFFFF9C00;
	s0 =	sadd.s32 s4, s0  }
0x92: {  	[hbm4b:s0+s21] =	stream.linear.scatter [tilespmem:s12], [sflag:$0x3], $0x6400, $0x38;
	[tilespmem:$0x12C80] =	vst v63  }
0x93: {  	_ =	swait.ge [sflag:s13], $0x6400  }
0x94: {  	[sflag:s13] =	ssyncset.done $0x0  }
0x95: {  	s0 =	sadd.s32 $0xC80, s0;
	[sflag:s13] =	ssyncadd.s32 $0xFFFF9C00  }
0x96: {  	[hbm4b:s0+s21] =	stream.linear.scatter [tilespmem:s14], [sflag:$0x4], $0x6400, $0x38;
	[tilespmem:$0x12C80] =	vst v63  }
0x97: {  	_ =	swait.ge [sflag:s15], $0x6400  }
0x98: {  	[sflag:s15] =	ssyncset.done $0x0  }
0x99: {  	[sflag:s15] =	ssyncadd.s32 $0xFFFF9C00  }
0x9a: {  	v0 =	vld [tilespmem:s19+$0x0];
	_ =	sdelay $0x4  }
0x9b: {  	v0 =	vshll.u32 v0, $0x4  }
0x9c: {  	(v2sf) =	vpush v0, $0x1;
	_ =	sdelay $0x1  }
0x9d: {  	(v2sf) =	vpush v0, $0x0  }
0x9e: {  	(v2sf) =	vpush v0, $0x2;
	_ =	sdelay $0x2  }
0x9f: {  	(v2sf) =	vpush v0, $0x3;
	_ =	sdelay $0x1  }
0xa0: {  	(v2sf) =	vpush v0, $0x4;
	_ =	sdelay $0x1  }
0xa1: {  	(v2sf) =	vpush v0, $0x5;
	_ =	sdelay $0x1  }
0xa2: {  	(v2sf) =	vpush v0, $0x6  }
0xa3: {  	s22 =	simm.s32 $0x1000  }
0xa4: {  	s26 =	simm.s32 $0x6480;
	s25 =	simm.s32 $0x6500;
	s23 =	simm.s32 $0x6800;
	(v2sf) =	vpush v0, $0x7  }
0xa5: {  	s24 =	sadd.s32 $0x8, s19;
	s21 =	simm.s32 $0x0;
	s28 =	spop (v2sf)  }
.LBB2_7:
0xa6: {  	s0 =	sadd.s32 $0x6680, s21  }
0xa7: {  	s29 =	sadd.s32 $0x6700, s21;
	s30 =	spop (v2sf);
	s31 =	smov.u32 s22  }
0xa8: {  	s1 =	sadd.s32 $0x6600, s21;
	s30 =	sand.u32 $0x1FFFFFF0, s30;
	s6 =	spop (v2sf)  }
0xa9: {  	s28 =	sand.u32 $0x1FFFFFF0, s28;
	s30 =	sadd.s32 s3, s30;
	s6 =	sand.u32 $0x1FFFFFF0, s6  }
0xaa: {  	[tilespmem:s26], [sflag:$0x1] =	stream.linear.gather [hbm4b:s30+s2], $0x80, $0x38;
	[tilespmem:$0x12C80] =	vst v63  }
0xab: {  	s26 =	sadd.s32 s3, s28;
	s6 =	sadd.s32 s3, s6;
	s28 =	spop (v2sf)  }
0xac: {  	[tilespmem:s25], [sflag:$0x1] =	stream.linear.gather [hbm4b:s26+s2], $0x80, $0x38;
	[tilespmem:$0x12C80] =	vst v63  }
0xad: {  	s25 =	sadd.s32 $0x6580, s21;
	s26 =	sand.u32 $0x1FFFFFF0, s28;
	s28 =	spop (v2sf)  }
0xae: {  	[tilespmem:s25], [sflag:$0x1] =	stream.linear.gather [hbm4b:s6+s2], $0x80, $0x38;
	[tilespmem:$0x12C80] =	vst v63  }
0xaf: {  	s6 =	sadd.s32 s3, s26;
	s25 =	sand.u32 $0x1FFFFFF0, s28;
	s26 =	spop (v2sf)  }
0xb0: {  	[tilespmem:s1], [sflag:$0x1] =	stream.linear.gather [hbm4b:s6+s2], $0x80, $0x38;
	[tilespmem:$0x12C80] =	vst v63  }
0xb1: {  	s1 =	sadd.s32 s3, s25;
	s6 =	sand.u32 $0x1FFFFFF0, s26;
	s25 =	spop (v2sf)  }
0xb2: {  	[tilespmem:s0], [sflag:$0x1] =	stream.linear.gather [hbm4b:s1+s2], $0x80, $0x38;
	[tilespmem:$0x12C80] =	vst v63  }
0xb3: {  	s0 =	sadd.s32 s3, s6;
	s1 =	sand.u32 $0x1FFFFFF0, s25;
	s6 =	spop (v2sf)  }
0xb4: {  	[tilespmem:s29], [sflag:$0x1] =	stream.linear.gather [hbm4b:s0+s2], $0x80, $0x38;
	[tilespmem:$0x12C80] =	vst v63  }
0xb5: {  	s1 =	sadd.s32 s3, s1;
	s0 =	sadd.s32 $0x6780, s21;
	s6 =	sand.u32 $0x1FFFFFF0, s6  }
0xb6: {  	[tilespmem:s0], [sflag:$0x1] =	stream.linear.gather [hbm4b:s1+s2], $0x80, $0x38;
	[tilespmem:$0x12C80] =	vst v63  }
0xb7: {  	p0 =	sne.s32 s22, $0x18000;
	s22 =	sadd.s32 $0x1000, s22;
	s0 =	sadd.s32 s3, s6  }
0xb8: {  	[tilespmem:s23], [sflag:$0x1] =	stream.linear.gather [hbm4b:s0+s2], $0x80, $0x38;
	[tilespmem:$0x12C80] =	vst v63  }
0xb9: {  	v0 =	vld [tilespmem:s24+$0x0];
	_ =	sdelay $0x4  }
0xba: {  	v0 =	vshll.u32 v0, $0x4  }
0xbb: {  	s21 =	sshra.s32 s31, $0x2;
	(v2sf) =	vpush v0, $0x1  }
0xbc: {  	(v2sf) =	vpush v0, $0x0  }
0xbd: {  	s26 =	sadd.s32 $0x6480, s21;
	s25 =	sadd.s32 $0x6500, s21;
	(v2sf) =	vpush v0, $0x2;
	_ =	sdelay $0x2  }
0xbe: {  	(v2sf) =	vpush v0, $0x3;
	_ =	sdelay $0x1  }
0xbf: {  	(v2sf) =	vpush v0, $0x4;
	_ =	sdelay $0x1  }
0xc0: {  	(v2sf) =	vpush v0, $0x5;
	_ =	sdelay $0x1  }
.Ltmp2:
0xc1: {  	(v2sf) =	vpush v0, $0x6;
	(pc) =	sbr.rel @p0 .LBB2_7-.Ltmp2, $3  }
0xc2: {  	_ = 	snop  }
0xc3: {  	(v2sf) =	vpush v0, $0x7;
	_ =	sdelay $0x1  }
0xc4: {  	s23 =	sadd.s32 $0x6800, s21;
	s24 =	sadd.s32 $0x8, s24;
	s28 =	spop (v2sf)  }
0xc5: {  	s0 =	sadd.s32 $0x6680, s21;
	s1 =	sadd.s32 $0x6700, s21;
	s6 =	spop (v2sf)  }
0xc6: {  	s22 =	sadd.s32 $0x6600, s21;
	s28 =	sand.u32 $0x1FFFFFF0, s28;
	s6 =	sand.u32 $0x1FFFFFF0, s6  }
0xc7: {  	s29 =	sadd.s32 $0x6580, s21;
	s24 =	spop (v2sf);
	s6 =	sadd.s32 s3, s6  }
0xc8: {  	[tilespmem:s26], [sflag:$0x1] =	stream.linear.gather [hbm4b:s6+s2], $0x80, $0x38;
	[tilespmem:$0x12C80] =	vst v63  }
0xc9: {  	s30 =	sadd.s32 s3, s28;
	s24 =	sand.u32 $0x1FFFFFF0, s24;
	s31 =	spop (v2sf)  }
0xca: {  	[tilespmem:s25], [sflag:$0x1] =	stream.linear.gather [hbm4b:s30+s2], $0x80, $0x38;
	[tilespmem:$0x12C80] =	vst v63  }
0xcb: {  	s24 =	sadd.s32 s3, s24;
	s30 =	sand.u32 $0x1FFFFFF0, s31;
	s31 =	spop (v2sf)  }
0xcc: {  	[tilespmem:s29], [sflag:$0x1] =	stream.linear.gather [hbm4b:s24+s2], $0x80, $0x38;
	[tilespmem:$0x12C80] =	vst v63  }
0xcd: {  	s24 =	sadd.s32 s3, s30;
	s25 =	sand.u32 $0x1FFFFFF0, s31;
	s26 =	spop (v2sf)  }
0xce: {  	[tilespmem:s22], [sflag:$0x1] =	stream.linear.gather [hbm4b:s24+s2], $0x80, $0x38;
	[tilespmem:$0x12C80] =	vst v63  }
0xcf: {  	s29 =	sadd.s32 s3, s25;
	s30 =	sand.u32 $0x1FFFFFF0, s26;
	s31 =	spop (v2sf)  }
0xd0: {  	[tilespmem:s0], [sflag:$0x1] =	stream.linear.gather [hbm4b:s29+s2], $0x80, $0x38;
	[tilespmem:$0x12C80] =	vst v63  }
0xd1: {  	s22 =	sadd.s32 s3, s30;
	s24 =	sand.u32 $0x1FFFFFF0, s31;
	s25 =	spop (v2sf)  }
0xd2: {  	[tilespmem:s1], [sflag:$0x1] =	stream.linear.gather [hbm4b:s22+s2], $0x80, $0x38;
	[tilespmem:$0x12C80] =	vst v63  }
0xd3: {  	s26 =	sadd.s32 $0x6780, s21;
	s29 =	sadd.s32 s3, s24;
	s30 =	sand.u32 $0x1FFFFFF0, s25  }
0xd4: {  	[tilespmem:s26], [sflag:$0x1] =	stream.linear.gather [hbm4b:s29+s2], $0x80, $0x38;
	[tilespmem:$0x12C80] =	vst v63  }
0xd5: {  	s31 =	sadd.s32 s3, s30  }
0xd6: {  	[tilespmem:s23], [sflag:$0x1] =	stream.linear.gather [hbm4b:s31+s2], $0x80, $0x38;
	[tilespmem:$0x12C80] =	vst v63  }
0xd7: {  	_ =	swait.ge [sflag:s16], $0x6400  }
0xd8: {  	[sflag:s16] =	ssyncset.done $0x0  }
0xd9: {  	[sflag:s16] =	ssyncadd.s32 $0xFFFF9C00  }
0xda: {  	v0 =	vld [tilespmem:s20+$0x0];
	_ =	sdelay $0x4  }
0xdb: {  	v0 =	vshll.u32 v0, $0x4  }
0xdc: {  	(v2sf) =	vpush v0, $0x1;
	_ =	sdelay $0x1  }
0xdd: {  	(v2sf) =	vpush v0, $0x0  }
0xde: {  	(v2sf) =	vpush v0, $0x2;
	_ =	sdelay $0x2  }
0xdf: {  	(v2sf) =	vpush v0, $0x3;
	_ =	sdelay $0x1  }
0xe0: {  	(v2sf) =	vpush v0, $0x4;
	_ =	sdelay $0x1  }
0xe1: {  	(v2sf) =	vpush v0, $0x5;
	_ =	sdelay $0x1  }
0xe2: {  	(v2sf) =	vpush v0, $0x6  }
0xe3: {  	s21 =	simm.s32 $0x0  }
0xe4: {  	s24 =	sadd.s32 $0x8, s20;
	s22 =	simm.s32 $0x1000;
	s25 =	simm.s32 $0xC900;
	(v2sf) =	vpush v0, $0x7  }
0xe5: {  	s26 =	simm.s32 $0xC880;
	s23 =	simm.s32 $0xCC00;
	s28 =	spop (v2sf)  }
.LBB2_9:
0xe6: {  	s0 =	sadd.s32 $0xCA80, s21  }
0xe7: {  	s1 =	sadd.s32 $0xCB00, s21;
	s6 =	spop (v2sf);
	s29 =	smov.u32 s22  }
0xe8: {  	s30 =	sadd.s32 $0xCA00, s21;
	s6 =	sand.u32 $0x1FFFFFF0, s6;
	s31 =	spop (v2sf)  }
0xe9: {  	s28 =	sand.u32 $0x1FFFFFF0, s28;
	s6 =	sadd.s32 s3, s6;
	s31 =	sand.u32 $0x1FFFFFF0, s31  }
0xea: {  	[tilespmem:s26], [sflag:$0x2] =	stream.linear.gather [hbm4b:s6+s2], $0x80, $0x38;
	[tilespmem:$0x12C80] =	vst v63  }
0xeb: {  	s6 =	sadd.s32 s3, s28;
	s26 =	sadd.s32 s3, s31;
	s28 =	spop (v2sf)  }
0xec: {  	[tilespmem:s25], [sflag:$0x2] =	stream.linear.gather [hbm4b:s6+s2], $0x80, $0x38;
	[tilespmem:$0x12C80] =	vst v63  }
0xed: {  	s6 =	sadd.s32 $0xC980, s21;
	s25 =	sand.u32 $0x1FFFFFF0, s28;
	s28 =	spop (v2sf)  }
0xee: {  	[tilespmem:s6], [sflag:$0x2] =	stream.linear.gather [hbm4b:s26+s2], $0x80, $0x38;
	[tilespmem:$0x12C80] =	vst v63  }
0xef: {  	s6 =	sadd.s32 s3, s25;
	s25 =	sand.u32 $0x1FFFFFF0, s28;
	s26 =	spop (v2sf)  }
0xf0: {  	[tilespmem:s30], [sflag:$0x2] =	stream.linear.gather [hbm4b:s6+s2], $0x80, $0x38;
	[tilespmem:$0x12C80] =	vst v63  }
0xf1: {  	s6 =	sadd.s32 s3, s25;
	s25 =	sand.u32 $0x1FFFFFF0, s26;
	s26 =	spop (v2sf)  }
0xf2: {  	[tilespmem:s0], [sflag:$0x2] =	stream.linear.gather [hbm4b:s6+s2], $0x80, $0x38;
	[tilespmem:$0x12C80] =	vst v63  }
0xf3: {  	s0 =	sadd.s32 s3, s25;
	s6 =	sand.u32 $0x1FFFFFF0, s26;
	s25 =	spop (v2sf)  }
0xf4: {  	[tilespmem:s1], [sflag:$0x2] =	stream.linear.gather [hbm4b:s0+s2], $0x80, $0x38;
	[tilespmem:$0x12C80] =	vst v63  }
0xf5: {  	s0 =	sadd.s32 $0xCB80, s21;
	s1 =	sadd.s32 s3, s6;
	s6 =	sand.u32 $0x1FFFFFF0, s25  }
0xf6: {  	[tilespmem:s0], [sflag:$0x2] =	stream.linear.gather [hbm4b:s1+s2], $0x80, $0x38;
	[tilespmem:$0x12C80] =	vst v63  }
0xf7: {  	p0 =	sne.s32 s22, $0x18000;
	s22 =	sadd.s32 $0x1000, s22;
	s0 =	sadd.s32 s3, s6  }
0xf8: {  	[tilespmem:s23], [sflag:$0x2] =	stream.linear.gather [hbm4b:s0+s2], $0x80, $0x38;
	[tilespmem:$0x12C80] =	vst v63  }
0xf9: {  	v0 =	vld [tilespmem:s24+$0x0];
	_ =	sdelay $0x4  }
0xfa: {  	v0 =	vshll.u32 v0, $0x4  }
0xfb: {  	s21 =	sshra.s32 s29, $0x2;
	(v2sf) =	vpush v0, $0x1  }
0xfc: {  	(v2sf) =	vpush v0, $0x0  }
0xfd: {  	s26 =	sadd.s32 $0xC880, s21;
	s25 =	sadd.s32 $0xC900, s21;
	(v2sf) =	vpush v0, $0x2;
	_ =	sdelay $0x2  }
0xfe: {  	(v2sf) =	vpush v0, $0x3;
	_ =	sdelay $0x1  }
0xff: {  	(v2sf) =	vpush v0, $0x4;
	_ =	sdelay $0x1  }
0x100: {  	(v2sf) =	vpush v0, $0x5;
	_ =	sdelay $0x1  }
.Ltmp3:
0x101: {  	(v2sf) =	vpush v0, $0x6;
	(pc) =	sbr.rel @p0 .LBB2_9-.Ltmp3, $3  }
0x102: {  	_ = 	snop  }
0x103: {  	(v2sf) =	vpush v0, $0x7;
	_ =	sdelay $0x1  }
0x104: {  	s23 =	sadd.s32 $0xCC00, s21;
	s24 =	sadd.s32 $0x8, s24;
	s28 =	spop (v2sf)  }
0x105: {  	s0 =	sadd.s32 $0xCA80, s21;
	s1 =	sadd.s32 $0xCB00, s21;
	s6 =	spop (v2sf)  }
0x106: {  	s22 =	sadd.s32 $0xCA00, s21;
	s28 =	sand.u32 $0x1FFFFFF0, s28;
	s6 =	sand.u32 $0x1FFFFFF0, s6  }
0x107: {  	s29 =	sadd.s32 $0xC980, s21;
	s24 =	spop (v2sf);
	s6 =	sadd.s32 s3, s6  }
0x108: {  	[tilespmem:s26], [sflag:$0x2] =	stream.linear.gather [hbm4b:s6+s2], $0x80, $0x38;
	[tilespmem:$0x12C80] =	vst v63  }
0x109: {  	s24 =	sand.u32 $0x1FFFFFF0, s24;
	s26 =	sadd.s32 s3, s28;
	s28 =	spop (v2sf)  }
0x10a: {  	[tilespmem:s25], [sflag:$0x2] =	stream.linear.gather [hbm4b:s26+s2], $0x80, $0x38;
	[tilespmem:$0x12C80] =	vst v63  }
0x10b: {  	s24 =	sadd.s32 s3, s24;
	s30 =	sand.u32 $0x1FFFFFF0, s28;
	s31 =	spop (v2sf)  }
0x10c: {  	[tilespmem:s29], [sflag:$0x2] =	stream.linear.gather [hbm4b:s24+s2], $0x80, $0x38;
	[tilespmem:$0x12C80] =	vst v63  }
0x10d: {  	s25 =	sadd.s32 s3, s30;
	s26 =	sand.u32 $0x1FFFFFF0, s31;
	s28 =	spop (v2sf)  }
0x10e: {  	[tilespmem:s22], [sflag:$0x2] =	stream.linear.gather [hbm4b:s25+s2], $0x80, $0x38;
	[tilespmem:$0x12C80] =	vst v63  }
0x10f: {  	s18 =	sadd.s32 $0x1, s18;
	s29 =	sadd.s32 s3, s26;
	s30 =	sand.u32 $0x1FFFFFF0, s28  }
0x110: {  	[tilespmem:s0], [sflag:$0x2] =	stream.linear.gather [hbm4b:s29+s2], $0x80, $0x38;
	[tilespmem:$0x12C80] =	vst v63  }
0x111: {  	p0 =	sne.s32 s18, $0x3F;
	s31 =	spop (v2sf);
	s22 =	sadd.s32 s3, s30  }
0x112: {  	[tilespmem:s1], [sflag:$0x2] =	stream.linear.gather [hbm4b:s22+s2], $0x80, $0x38;
	[tilespmem:$0x12C80] =	vst v63  }
.Ltmp4:
0x113: {  	s25 =	sand.u32 $0x1FFFFFF0, s31;
	s26 =	spop (v2sf);
	(pc) =	sbr.rel @p0 .LBB2_6-.Ltmp4, $4  }
0x114: {  	s28 =	sadd.s32 $0xCB80, s21;
	s29 =	sadd.s32 s3, s25;
	s30 =	sand.u32 $0x1FFFFFF0, s26  }
0x115: {  	[tilespmem:s28], [sflag:$0x2] =	stream.linear.gather [hbm4b:s29+s2], $0x80, $0x38;
	[tilespmem:$0x12C80] =	vst v63  }
0x116: {  	s19 =	sadd.s32 $0x190, s19;
	s20 =	sadd.s32 $0x190, s20;
	s31 =	sadd.s32 s3, s30  }
0x117: {  	[tilespmem:s23], [sflag:$0x2] =	stream.linear.gather [hbm4b:s31+s2], $0x80, $0x38;
	[tilespmem:$0x12C80] =	vst v63  }
0x118: {  	_ =	swait.ge [sflag:s11], $0x6400  }
0x119: {  	[sflag:s11] =	ssyncset.done $0x0  }
0x11a: {  	[sflag:s11] =	ssyncadd.s32 $0xFFFF9C00  }
0x11b: {  	[hbm4b:s7+s2] =	stream.linear.scatter [tilespmem:s12], [sflag:$0x3], $0x6400, $0x38;
	[tilespmem:$0x12C80] =	vst v63  }
0x11c: {  	_ =	swait.ge [sflag:s13], $0x6400  }
0x11d: {  	[sflag:s13] =	ssyncset.done $0x0  }
0x11e: {  	s17 =	sadd.s32 $0x1, s17;
	[sflag:s13] =	ssyncadd.s32 $0xFFFF9C00  }
0x11f: {  	[hbm4b:s8+s2] =	stream.linear.scatter [tilespmem:s14], [sflag:$0x4], $0x6400, $0x38;
	[tilespmem:$0x12C80] =	vst v63  }
0x120: {  	p0 =	sne.s32 s17, s9;
	_ =	swait.ge [sflag:s15], $0x6400  }
.Ltmp5:
0x121: {  	[sflag:s15] =	ssyncset.done $0x0;
	(pc) =	sbr.rel @p0 .LBB2_1-.Ltmp5, $4  }
0x122: {  	[sflag:s15] =	ssyncadd.s32 $0xFFFF9C00  }
0x123: {  	_ =	swait.ge [sflag:s16], $0x6400  }
0x124: {  	[sflag:s16] =	ssyncset.done $0x0  }
0x125: {  	[sflag:s16] =	ssyncadd.s32 $0xFFFF9C00  }
0x126: {  	_ =	sfence.sel $0x180000  }
0x127: {  	[bflag:$0x0] =	sbarrier.arrive $0xFFFF  }
0x128: {  	_ =	strace $0x90000047  }
0x129: {  	s0 =	stileid.u32;
	[bflag:$0x2] =	sbarrier.arrive $0xFFFF  }
0x12a: {  	p0 =	sne.s32 s0, $0x0;
	s0 =	rddreg [dreg:$0x2]  }
0x12b: {  	s0 =	sadd.s32 @!p0 $0x100000, s0  }
0x12c: {  	[sflag:s0] =	ssyncadd.tile.s32 @!p0 $0x1;
	_ =	shalt  }
.Lfunc_end2:
_tile_overlayer_lowered:
.L_overlay_start_2:
0x12d: {  	(tag) =	ssettag $0x2  }
0x12e: {  	s0 =	rddreg [dreg:$0x0];
	s2 =	stileid.u32  }
0x12f: {  	s1 =	rddreg [dreg:$0x1];
	p0 =	sne.s32 s2, $0x0  }
0x130: {  	s3 =	rddreg [dreg:$0x2];
	[bflag:$0x3] =	sbarrier.arrive $0xFFFF;
	s2 =	simm.s32 @!p0 $0x1C05  }
0x131: {  	[timem:s3], [sflag:s2] =	dma.local @!p0 [hbm:s0], s1  }
0x132: {  	s0 =	simm.s32 @!p0 $0x5  }
0x133: {  	_ =	swait.ge @!p0 [sflag:s0], s1  }
0x134: {  	s1 =	ssub.s32 @!p0 $0x0, s1;
	[sflag:s0] =	ssyncset.done @!p0 $0x0  }
0x135: {  	[sflag:s0] =	ssyncadd.s32 @!p0 s1  }
0x136: {  	[bflag:$0x3] =	sbarrier.arrive $0xFFFF  }
0x137: {  	_ =	shalt  }

// kernel: sparse-core-data-format-call.cloned.1.call-start
scs
called_computation_lowered:
.L_overlay_start_0:
0x0: {  	s2 =	sld [smem:$0x3FD9]  }
0x1: {  	s3 =	sld [smem:$0x3FFE];
	_ =	sdelay $0x1  }
0x2: {  	s1 =	srdreg.scid  }
0x3: {  	s0 =	sand.u32 $0x1, s1  }
0x4: {  	s18 =	sshll.u32 s0, $0xA;
	s2 =	sadd.s32 s3, s2  }
0x5: {  	s2 =	sadd.s32 s2, s18  }
0x6: {  	[smem:$0x3FC6] =	sst s2  }
0x7: {  	_ = 	snop  }
0x8: {  	s2 =	sld [smem:$0x3FD0];
	(tm) =	ssettm $0x1  }
0x9: {  	s19 =	sld [smem:$0x3FFB];
	_ =	sdelay $0x3  }
0xa: {  	_ =	strace s19  }
0xb: {  	s3 =	sld [smem:$0x3FFC];
	_ =	sdelay $0x3  }
0xc: {  	_ =	strace s3  }
0xd: {  	s3 =	sld [smem:$0x3FFD];
	_ =	sdelay $0x3  }
0xe: {  	_ =	strace s3  }
0xf: {  	_ =	strace $0x8FFFFFFF  }
0x10: {  	s20 =	sld [smem:$0x3FDB];
	_ =	sdelay $0x1  }
0x11: {  	s4 =	simm.s32 $_scs_section_size  }
0x12: {  	s5 =	simm.s32 $_size__tile_overlayer_lowered;
	s6 =	simm.s32 $_tile_overlayer_lowered  }
0x13: {  	s23 =	simm.s32 $0x1BFF;
	s22 =	sshll.u32 s6, $0x1;
	s3 =	sadd.s32 s4, s20  }
0x14: {  	s7 =	simm.s32 $0x0;
	s21 =	sshll.u32 s5, $0x1;
	s5 =	sadd.s32 s22, s3  }
0x15: {  	[timem:s7], [sflag:s23] =	dma.local [hbm:s5], s21  }
0x16: {  	_ =	swait.ge [sflag:s23], s21  }
0x17: {  	s4 =	ssub.s32 $0x0, s21;
	[sflag:s23] =	ssyncset.done $0x0  }
0x18: {  	[sflag:s23] =	ssyncadd.s32 s4;
	_ =	sdelay $0x1  }
0x19: {  	s24 =	simm.s32 $0x1B8B  }
0x1a: {  	_ =	swait.ge [sflag:s24], $0x1  }
0x1b: {  	[sflag:s24] =	ssyncset.done $0x0  }
0x1c: {  	s26 =	simm.s32 $0x1B8E;
	s25 =	sld [smem:$0x3FFE];
	[sflag:s24] =	ssyncadd.s32 $0xFFFFFFFF  }
0x1d: {  	s27 =	simm.s32 $execute0_lowered;
	[smem:$0x3FD2] =	sst s26  }
0x1e: {  	s5 =	sshll.u32 s27, $0x1;
	_ =	strace $0x80000049;
	[dreg:$0x1] =	wrdreg $0xFFFFFFFF  }
0x1f: {  	s28 =	simm.s32 $_size_execute0_lowered;
	s3 =	sadd.s32 s3, s5;
	[dreg:$0x0] =	wrdreg $0x0  }
0x20: {  	s5 =	sshll.u32 s28, $0x1;
	[dreg:$0x2] =	wrdreg s3  }
0x21: {  	[dreg:$0x3] =	wrdreg s5  }
0x22: {  	[dreg:$0x4] =	wrdreg $0xC0  }
0x23: {  	_ =	task [dreg:s7], $0x5FFFF  }
0x24: {  	[dreg:$0x1] =	wrdreg $0xFFFFFFFF  }
0x25: {  	[dreg:$0x0] =	wrdreg $0x60  }
0x26: {  	[dreg:$0x2] =	wrdreg s25  }
0x27: {  	[dreg:$0x3] =	wrdreg s2  }
0x28: {  	[dreg:$0x4] =	wrdreg $0x9  }
0x29: {  	_ =	task.clear_ibuf [dreg:s7], $0x5FFFF;
	_ =	strace $0x90000049  }
0x2a: {  	s29 =	simm.s32 $0x9;
	_ =	strace $0x8000004B  }
0x2b: {  	_ =	swait.ge [sflag:s29], $0x1  }
0x2c: {  	[sflag:s29] =	ssyncadd.s32 $0xFFFFFFFF  }
0x2d: {  	_ =	strace $0x9000004B  }
0x2e: {  	_ =	sfence  }
0x2f: {  	s30 =	sld [smem:$0x0];
	_ =	sdelay $0x2  }
0x30: {  	s31 =	sshll.u32 s1, $0xD;
	s1 =	sshrl.u32 s1, $0x2  }
0x31: {  	s3 =	sand.u32 $0x4000, s31;
	s1 =	sadd.s32 s1, s30  }
0x32: {  	s0 =	sor.u32 s3, s0;
	s1 =	sshll.u32 s1, $0x11  }
0x33: {  	s0 =	sor.u32 s1, s0  }
0x34: {  	s0 =	sadd.s32 $0x8F2B, s0  }
0x35: {  	[sflag:s0] =	ssyncadd.remote.s32 $0x1  }
0x36: {  	_ =	sfence.sel $0xFFFF  }
0x37: {  	[dreg:$0x0] =	wrdreg $0xFFFFFFFF;
	(pc) =	sbr.abs _section_cstart, $3  }
0x38: {  	[dreg:$0x1] =	wrdreg $0xFFFFFFFF  }
0x39: {  	_ =	task.clear_ibuf [dreg:s7], $0x2FFFF;
	_ =	strace $0x9FFFFFFF  }
0x3a: {  	(tm) =	ssettm $0x7FFFFFFF  }
0x3b: {  	_ =	shalt  }
tec
execute0_lowered:
.L_overlay_start_1:
0x0: {  	(tag) =	ssettag $0x1  }
0x1: {  	s0 =	srdreg.scid  }
0x2: {  	s1 =	sshll.u32 s0, $0x4  }
0x3: {  	s0 =	stileid.u32;
	s1 =	sand.u32 $0x10, s1  }
0x4: {  	s1 =	sor.u32 s0, s1  }
0x5: {  	s6 =	rddreg [dreg:$0x0];
	s4 =	simm.s32 $0x1;
	s2 =	sshll.u32 s1, $0x7  }
0x6: {  	s7 =	simm.s32 $0x2;
	s12 =	simm.s32 $0x0;
	s1 =	ssub.s32 $0x1000, s2  }
0x7: {  	s8 =	simm.s32 $0x8000;
	s13 =	simm.s32 $0x0;
	s3 =	sand.u32 $0xF80, s1  }
0x8: {  	s9 =	simm.s32 $0x0;
	s5 =	sshrl.u32 s1, $0xC;
	p0 =	sne.s32 s3, $0x0  }
.Ltmp0:
0x9: {  	s1 =	rddreg [dreg:$0x2];
	s4 =	simm.s32 @!p0 $0x0;
	(pc) =	sbr.rel .LBB1_1-.Ltmp0, $4  }
0xa: {  	s11 =	simm.s32 $0x0;
	s3 =	rddreg [dreg:$0x1];
	s5 =	sadd.s32 s4, s5  }
0xb: {  	_ =	strace $0x8000004A;
	s4 =	simm.s32 $0x1;
	s5 =	smul.u32 $0xC8, s5  }
0xc: {  	s6 =	sadd.s32 $0xF42C00, s6;
	s10 =	smov.u32 s2;
	[sflag:s4] =	ssyncpa.u1 $0x0  }
0xd: {  	p0 =	por $0x0, $0x0;
	[sflag:s7] =	ssyncpa.u1 $0x0;
	s7 =	sor.u32 $0x1, s5  }
.LBB1_4:
0xe: {  	s16 =	sshll.u32 s13, $0x3;
	s17 =	sand.u32 $0x78, s13  }
0xf: {  	s30 =	sand.u32 $0x7E00, s13;
	s12 =	sshll.u32 s12, $0xF;
	s16 =	sand.u32 $0xC00, s16  }
0x10: {  	[tilespmem:s15+$0x810 ss:$0x81] =	vst.msk $0xffff, v2;
	s31 =	sand.u32 $0x7, s13;
	s16 =	sor.u32 s17, s16;
	s17 =	sadd.s32 s3, s30  }
0x11: {  	[tilespmem:s15+$0x1020 ss:$0x81] =	vst.msk $0xffff, v0;
	s13 =	sshll.u32 s31, $0x12;
	s12 =	sadd.s32 s12, s17;
	s16 =	sshrl.u32 s16, $0x3  }
0x12: {  	[tilespmem:s15+$0x0 ss:$0x81] =	vst.msk $0xffff, v1;
	s13 =	sor.u32 $0x400, s13;
	s12 =	sadd.s32 s16, s12  }
0x13: {  	[hbm4b:s12+s13] =	stream.strided.scatter [tilespmem:s14], [sflag:$0x2], $0x2000, s8, s13, $0x20;
	[tilespmem:$0x8080] =	vst v63  }
.LBB1_5:
0x14: {  	s14 =	sadd.s32 $0x1, s9  }
0x15: {  	s12 =	sadd.s32 $0x1000, s10;
	s16 =	smov.u32 s10;
	p2 =	sgt.s32 s14, $0xC7  }
0x16: {  	s16 =	smov.u32 @p2 s12  }
0x17: {  	s14 =	simm.s32 @p2 $0x0;
	p2 =	sgt.s32 s16, $0xFFF  }
0x18: {  	s16 =	smov.u32 @p2 s2;
	p2 =	sne.s32 s11, s7  }
.Ltmp1:
0x19: {  	p1 =	slt.u32 s11, $0x2;
	(pc) =	sbr.rel @!p2 .LBB1_6-.Ltmp1, $4  }
0x1a: {  	s15 =	simm.s32 @!p1 $0x2  }
0x1b: {  	s13 =	smov.u32 s10;
	p0 =	por !p0, !p0;
	_ =	swait.ge @!p1 [sflag:s15], $0x2000  }
0x1c: {  	s12 =	smov.u32 s9;
	[sflag:s15] =	ssyncset.done @!p1 $0x0;
	s9 =	smov.u32 s14  }
0x1d: {  	s11 =	sadd.s32 $0x1, s11;
	[sflag:s15] =	ssyncadd.s32 @!p1 $0xFFFFE000;
	s10 =	smov.u32 s16  }
.LBB1_1:
0x1e: {  	p1 =	sge.u32 s11, s5  }
0x1f: {  	s14 =	sand.u32 @!p1 $0x1FFFFFF, s9  }
0x20: {  	s15 =	smulhi.u32 @!p1 $0x147AE15, s14;
	_ =	sdelay $0x1  }
0x21: {  	s15 =	smul.u32 @!p1 $0xC8, s15  }
0x22: {  	s16 =	sxor.u32 @!p1 $0xFFFFFFFF, s11;
	s17 =	smul.u32 @!p1 $0xC80, s10  }
0x23: {  	s31 =	sadd.s32 $0xFFFFFFFF, s11;
	s16 =	sshll.u32 @!p1 s16, $0xD;
	s14 =	ssub.s32 @!p1 s14, s15  }
0x24: {  	s15 =	sand.u32 @!p1 $0x2000, s16;
	s16 =	sadd.s32 @!p1 s6, s17;
	s14 =	sshll.u32 @!p1 s14, $0x4  }
0x25: {  	s17 =	simm.s32 @!p1 $0x6400;
	s14 =	sadd.s32 @!p1 s14, s16;
	s16 =	simm.s32 @!p1 $0x40  }
0x26: {  	[tilespmem:s15], [sflag:$0x1] =	stream.strided.gather @!p1 [hbm4b:s14+s16], $0x2000, s17, s16, $0x38;
	[tilespmem:$0x8080] =	vst v63  }
0x27: {  	p1 =	sge.u32 s31, s5  }
.Ltmp2:
0x28: {  	_ = 	snop;
	(pc) =	sbr.rel @p1 .LBB1_5-.Ltmp2, $1  }
0x29: {  	_ =	sdelay $0x3  }
0x2a: {  	s14 =	simm.s32 $0x1  }
0x2b: {  	_ =	swait.ge [sflag:s4], $0x2000;
	s14 =	simm.s32 @!p0 $0x0  }
0x2c: {  	[sflag:s4] =	ssyncset.done $0x0;
	s15 =	sshll.u32 s14, $0xD  }
0x2d: {  	[sflag:s4] =	ssyncadd.s32 $0xFFFFE000;
	s18 =	sor.u32 $0x20, s15  }
0x2e: {  	s14 =	smul.u32 $0x8100, s14;
	v3 =	vld [tilespmem:s18+$0x10]  }
0x2f: {  	s30 =	sand.u32 $0x1, s11;
	v2 =	vld [tilespmem:s18+$0xFFFFFFF0]  }
0x30: {  	s15 =	smul.u32 $0x8100, s30;
	s14 =	sshrl.u32 s14, $0x2;
	v0 =	vld [tilespmem:s18+$0x0]  }
0x31: {  	v1 =	vld [tilespmem:s18+$0xFFFFFFE0];
	s16 =	sor.u32 $0x4000, s14  }
0x32: {  	s31 =	sshrl.u32 s15, $0x2;
	s15 =	sadd.s32 $0x0, s16  }
0x33: {  	s17 =	simm.s32 $0x4;
	s18 =	sadd.s32 $0x40, s18;
	s14 =	sor.u32 $0x4000, s31;
	[tilespmem:s15+$0x1830 ss:$0x81] =	vst.msk $0xffff, v3  }
.LBB1_3:
0x34: {  	v3 =	vld [tilespmem:s18+$0x10];
	p1 =	sne.s32 s17, $0x1FC;
	[tilespmem:s15+$0x810 ss:$0x81] =	vst.msk $0xffff, v2;
	s19 =	smov.u32 s17;
	s17 =	sadd.s32 $0x4, s17  }
.Ltmp3:
0x35: {  	v2 =	vld [tilespmem:s18+$0xFFFFFFF0];
	[tilespmem:s15+$0x1020 ss:$0x81] =	vst.msk $0xffff, v0;
	(pc) =	sbr.rel @p1 .LBB1_3-.Ltmp3, $4  }
0x36: {  	v0 =	vld [tilespmem:s18+$0x0];
	[tilespmem:s15+$0x0 ss:$0x81] =	vst.msk $0xffff, v1  }
0x37: {  	s15 =	sshra.s32 s19, $0x2;
	v1 =	vld [tilespmem:s18+$0xFFFFFFE0]  }
0x38: {  	s15 =	sadd.s32 s15, s16  }
0x39: {  	s18 =	sadd.s32 $0x40, s18;
	[tilespmem:s15+$0x1830 ss:$0x81] =	vst.msk $0xffff, v3  }
.Ltmp4:
0x3a: {  	_ = 	snop;
	(pc) =	sbr.rel .LBB1_4-.Ltmp4, $1  }
0x3b: {  	_ =	sdelay $0x3  }
.LBB1_6:
0x3c: {  	_ =	sfence.sel $0x180000  }
0x3d: {  	s2 =	simm.s32 $0x1;
	[bflag:$0x0] =	sbarrier.arrive $0xFFFF  }
0x3e: {  	s31 =	simm.s32 $0x2;
	[sflag:s2] =	ssyncpa.u1 $0x1  }
0x3f: {  	[sflag:s31] =	ssyncpa.u1 $0x1  }
0x40: {  	p0 =	sne.s32 s0, $0x0;
	_ =	strace $0x9000004A  }
0x41: {  	s0 =	sadd.s32 @!p0 $0x100000, s1;
	[bflag:$0x2] =	sbarrier.arrive $0xFFFF  }
0x42: {  	[sflag:s0] =	ssyncadd.tile.s32 @!p0 $0x1;
	_ =	shalt  }
.Lfunc_end1:
_tile_overlayer_lowered:
.L_overlay_start_2:
0x43: {  	(tag) =	ssettag $0x2  }
0x44: {  	s0 =	rddreg [dreg:$0x0];
	s2 =	stileid.u32  }
0x45: {  	s1 =	rddreg [dreg:$0x1];
	p0 =	sne.s32 s2, $0x0  }
0x46: {  	s3 =	rddreg [dreg:$0x2];
	[bflag:$0x3] =	sbarrier.arrive $0xFFFF;
	s2 =	simm.s32 @!p0 $0x1C01  }
0x47: {  	[timem:s3], [sflag:s2] =	dma.local @!p0 [hbm:s0], s1  }
0x48: {  	s0 =	simm.s32 @!p0 $0x1  }
0x49: {  	_ =	swait.ge @!p0 [sflag:s0], s1  }
0x4a: {  	s1 =	ssub.s32 @!p0 $0x0, s1;
	[sflag:s0] =	ssyncset.done @!p0 $0x0  }
0x4b: {  	[sflag:s0] =	ssyncadd.s32 @!p0 s1  }
0x4c: {  	[bflag:$0x3] =	sbarrier.arrive $0xFFFF  }
0x4d: {  	_ =	shalt  }

</sc_bundles>
